<compile_context>
chip_gen: v7x
topology: tpu7x:2x2x1
jax: 0.10.2.dev20260603
libtpu: 0.0.44.dev20260713+nightly
codegen_flags: <defaults>
</compile_context>

<pallas_src>
import functools

import jax
import jax.numpy as jnp
from jax import lax
from jax.experimental import pallas as pl
from jax.experimental.pallas import tpu as pltpu
from jax.experimental.pallas import tpu_sc as plsc

N = 1000
NP = 1024
D = 128
HID = 512
T_STEPS = 10
E_REAL = 17000
E_ROWS = 136
E_PAD = E_ROWS * 128
SENTINEL = 1023 * NP + 1023
RPT = NP // 32

E_B = 640
K_TILES = 16000 // E_B


def _sc_counts(flat2d):
    mesh = plsc.VectorSubcoreMesh(core_axis_name="c", subcore_axis_name="s")

    @functools.partial(
        pl.kernel,
        out_type=jax.ShapeDtypeStruct((8 * NP, 128), jnp.float32),
        mesh=mesh,
        compiler_params=pltpu.CompilerParams(needs_layout_passes=False),
        scratch_types=[
            pltpu.VMEM((E_ROWS, 128), jnp.int32),
            pltpu.VMEM((RPT * 8 * 128,), jnp.float32),
            pltpu.VMEM((RPT * 8, 128), jnp.float32),
        ],
    )
    def sc_kernel(flat_hbm, out_hbm, idx_v, cflat_v, c2d_v):
        c = lax.axis_index("c")
        s = lax.axis_index("s")
        w = s * 2 + c
        lo = w * RPT
        pltpu.sync_copy(flat_hbm, idx_v)

        zero16 = jnp.zeros((16,), jnp.float32)
        ones16 = jnp.full((16,), 1.0, jnp.float32)

        def zz(i, _):
            cflat_v[pl.ds(i * 16, 16)] = zero16
            return 0

        lax.fori_loop(0, RPT * 8 * 8, zz, 0)

        def scan(r, _):
            for g in range(8):
                fl = idx_v[r, pl.ds(g * 16, 16)]
                d = lax.shift_right_logical(fl, 10)
                lane = lax.bitwise_and(fl, 127)
                j = lax.bitwise_and(lax.shift_right_logical(fl, 7), 7)
                dl = d - lo
                m = (dl >= 0) & (dl < RPT)
                tgt = (j * RPT + dl) * 128 + lane
                tgt = jnp.where(m, tgt, 0)
                plsc.addupdate_scatter(cflat_v, [tgt], ones16, mask=m)
            return 0

        lax.fori_loop(0, E_ROWS, scan, 0)

        def cp(r, _):
            for g in range(8):
                c2d_v[r, pl.ds(g * 16, 16)] = cflat_v[pl.ds(r * 128 + g * 16, 16)]
            return 0

        lax.fori_loop(0, RPT * 8, cp, 0)

        for j in range(8):
            pltpu.sync_copy(c2d_v.at[pl.ds(j * RPT, RPT)],
                            out_hbm.at[pl.ds(j * NP + w * RPT, RPT)])

    return sc_kernel(flat2d)


def _dot16(a, b):
    return jnp.dot(a.astype(jnp.bfloat16), b.astype(jnp.bfloat16),
                   preferred_element_type=jnp.float32)


def _tc_body(x_ref, craw_ref, min_ref, mout_ref, wxt_ref, wht_ref, b4_ref,
             wm1t_ref, wm2t_ref, bm_ref, wct_ref, bc_ref, out_ref,
             a16_ref, aproj_ref, bproj_ref, xn_ref):
    k = pl.program_id(0)

    @pl.when(k == 0)
    def _prologue():
        cs = jnp.concatenate(
            [craw_ref[j * NP:j * NP + N, :] for j in range(8)], axis=1)[:, :N]
        deg = jnp.sum(cs, axis=1)
        dinv = lax.rsqrt(deg)
        a16_ref[...] = (cs * dinv[:, None] * dinv[None, :]).astype(jnp.bfloat16)

        wx16 = wxt_ref[...].astype(jnp.bfloat16)
        wh16 = wht_ref[...].astype(jnp.bfloat16)

        def step(t, hc):
            h, cc = hc
            xt = x_ref[t].astype(jnp.bfloat16)
            xw = (jnp.dot(xt, wx16, preferred_element_type=jnp.float32)
                  + jnp.dot(h.astype(jnp.bfloat16), wh16,
                            preferred_element_type=jnp.float32))
            z = (jnp.dot(a16_ref[...], xw.astype(jnp.bfloat16),
                         preferred_element_type=jnp.float32)
                 + b4_ref[...])
            ig = jax.nn.sigmoid(z[:, 0:128])
            fg = jax.nn.sigmoid(z[:, 128:256])
            og = jax.nn.sigmoid(z[:, 256:384])
            gg = jnp.tanh(z[:, 384:512])
            cc = fg * cc + ig * gg
            h = og * jnp.tanh(cc)
            return h, cc

        h0 = jnp.zeros((N, D), jnp.float32)
        h, _ = lax.fori_loop(0, T_STEPS, step, (h0, h0))
        aproj_ref[...] = _dot16(h, wm1t_ref[...]).astype(jnp.bfloat16)
        bproj_ref[...] = _dot16(h, wm2t_ref[...]).astype(jnp.bfloat16)
        xn_ref[...] = jnp.zeros((N, D), jnp.float32)

    mit16 = min_ref[...].astype(jnp.bfloat16)
    mot16 = mout_ref[...].astype(jnp.bfloat16)
    et = jnp.maximum(
        lax.dot_general(aproj_ref[...], mit16, (((0,), (0,)), ((), ())),
                        preferred_element_type=jnp.float32)
        + lax.dot_general(bproj_ref[...], mot16, (((0,), (0,)), ((), ())),
                          preferred_element_type=jnp.float32)
        + bm_ref[...], 0.0)
    xn_ref[...] += lax.dot_general(mit16, et.astype(jnp.bfloat16),
                                   (((1,), (1,)), ((), ())),
                                   preferred_element_type=jnp.float32)

    @pl.when(k == K_TILES - 1)
    def _epilogue():
        xw = _dot16(xn_ref[...] * (1.0 / N), wct_ref[...])
        out_ref[...] = (jnp.dot(a16_ref[...], xw.astype(jnp.bfloat16),
                                preferred_element_type=jnp.float32)
                        + bc_ref[...])


def _tc_call(x, craw, m_in, m_out, wxt, wht, b4, wm1t, wm2t, bm2, wct, bc2):
    full = lambda a: pl.BlockSpec(a.shape, lambda k, nd=a.ndim: (0,) * nd)
    return pl.pallas_call(
        _tc_body,
        grid=(K_TILES,),
        in_specs=[
            full(x),
            full(craw),
            pl.BlockSpec((N, E_B), lambda k: (0, k)),
            pl.BlockSpec((N, E_B), lambda k: (0, k)),
            full(wxt), full(wht), full(b4),
            full(wm1t), full(wm2t), full(bm2), full(wct), full(bc2),
        ],
        out_specs=pl.BlockSpec((N, D), lambda k: (0, 0)),
        out_shape=jax.ShapeDtypeStruct((N, D), jnp.float32),
        scratch_shapes=[
            pltpu.VMEM((N, N), jnp.bfloat16),
            pltpu.VMEM((N, D), jnp.bfloat16),
            pltpu.VMEM((N, D), jnp.bfloat16),
            pltpu.VMEM((N, D), jnp.float32),
        ],
    )(x, craw, m_in, m_out, wxt, wht, b4, wm1t, wm2t, bm2, wct, bc2)


def kernel(x, edge_index, m_in, m_out, Wi, bi, Wf, bf, Wo, bo, Wg, bg, Wm, bm, Wc, bc):
    n = x.shape[1]
    ar = jnp.arange(n, dtype=edge_index.dtype)
    src = jnp.concatenate([edge_index[0], ar]).astype(jnp.int32)
    dst = jnp.concatenate([edge_index[1], ar]).astype(jnp.int32)
    flat = dst * NP + src
    flat_pad = jnp.concatenate(
        [flat, jnp.full((E_PAD - E_REAL,), SENTINEL, jnp.int32)])

    craw = _sc_counts(jnp.reshape(flat_pad, (E_ROWS, 128)))

    wall = jnp.concatenate([Wi, Wf, Wo, Wg], axis=0)
    wxt = wall[:, :D].T
    wht = wall[:, D:].T
    b4 = jnp.concatenate([bi, bf, bo, bg])[None, :]
    wm1t = Wm[:, :D].T
    wm2t = Wm[:, D:].T

    return _tc_call(x, craw, m_in.T, m_out.T, wxt, wht, b4, wm1t, wm2t,
                    bm[:, None], Wc.T, bc[None, :])

# --- scband reference (transcript-rebuilt; emitter-appended) ---
"""Pipeline reference for scband-nri-rec-decoder-32049045962804 (READ-ONLY COPY).

The authoritative reference and input builder live on the scoring server;
editing this copy changes nothing except your own understanding.
"""

import jax, jax.numpy as jnp
import numpy as np

T = 10
N_NODES = 1000
N_EDGES = 16000
N_IN = 128
N_HID = 128
N_OUT = 128


def _xavier(key, out_dim, in_dim):
    std = (2.0 / (in_dim + out_dim)) ** 0.5
    return jax.random.normal(key, (out_dim, in_dim), dtype=jnp.float32) * std


def setup_inputs(seed: int = 0):
    key = jax.random.key(seed)
    ks = jax.random.split(key, 12)
    x = jax.random.normal(ks[0], (T, N_NODES, N_IN), dtype=jnp.float32)
    edge_index = jax.random.randint(ks[1], (2, N_EDGES), 0, N_NODES, dtype=jnp.int32)
    m_in = jax.random.uniform(ks[2], (N_EDGES, N_NODES), dtype=jnp.float32)
    m_out = jax.random.uniform(ks[3], (N_EDGES, N_NODES), dtype=jnp.float32)
    Wi = _xavier(ks[4], N_HID, N_IN + N_HID)
    Wf = _xavier(ks[5], N_HID, N_IN + N_HID)
    Wo = _xavier(ks[6], N_HID, N_IN + N_HID)
    Wg = _xavier(ks[7], N_HID, N_IN + N_HID)
    Wm = _xavier(ks[8], N_HID, 2 * N_HID)
    Wc = _xavier(ks[9], N_OUT, N_HID)
    bi = jnp.full((N_HID,), 0.1, dtype=jnp.float32)
    bf = jnp.full((N_HID,), 0.1, dtype=jnp.float32)
    bo = jnp.full((N_HID,), 0.1, dtype=jnp.float32)
    bg = jnp.full((N_HID,), 0.1, dtype=jnp.float32)
    bm = jnp.full((N_HID,), 0.1, dtype=jnp.float32)
    bc = jnp.full((N_OUT,), 0.1, dtype=jnp.float32)
    return {"x": x, "edge_index": edge_index, "m_in": m_in, "m_out": m_out,
            "Wi": Wi, "bi": bi, "Wf": Wf, "bf": bf, "Wo": Wo, "bo": bo,
            "Wg": Wg, "bg": bg, "Wm": Wm, "bm": bm, "Wc": Wc, "bc": bc}


def _gcn(h, src, dst, norm, W, b):
    # PyG GCNConv: linear -> normalize -> gather(src) -> scatter-add(dst) -> bias
    xw = h @ W.T
    msg = jnp.take(xw, src, axis=0) * norm[:, None]
    out = jnp.zeros((h.shape[0], W.shape[0]), h.dtype).at[dst].add(msg)
    return out + b


def reference(x, edge_index, m_in, m_out, Wi, bi, Wf, bf, Wo, bo, Wg, bg, Wm, bm, Wc, bc):
    n = x.shape[1]
    # add self loops once; same normalization reused by every GCNConv
    src = jnp.concatenate([edge_index[0], jnp.arange(n, dtype=edge_index.dtype)])
    dst = jnp.concatenate([edge_index[1], jnp.arange(n, dtype=edge_index.dtype)])
    deg = jnp.zeros(n, x.dtype).at[dst].add(1.0)
    dinv = jax.lax.rsqrt(deg)
    norm = dinv[src] * dinv[dst]
    h = jnp.zeros((n, Wi.shape[0]), x.dtype)
    c = jnp.zeros((n, Wi.shape[0]), x.dtype)
    for t in range(x.shape[0]):
        comb = jnp.concatenate([x[t], h], axis=-1)
        i = jax.nn.sigmoid(_gcn(comb, src, dst, norm, Wi, bi))
        f = jax.nn.sigmoid(_gcn(comb, src, dst, norm, Wf, bf))
        o = jax.nn.sigmoid(_gcn(comb, src, dst, norm, Wo, bo))
        g = jnp.tanh(_gcn(comb, src, dst, norm, Wg, bg))
        c = f * c + i * g
        h = o * jnp.tanh(c)
    # node2edge (NRI): gather sender/receiver node states via incidence matmuls
    e = jnp.concatenate([m_in @ h, m_out @ h], axis=-1)
    e = jax.nn.relu(e @ Wm.T + bm)  # dropout p=0.0 -> identity
    # edge2node (NRI): aggregate edge features back to nodes, averaged by num atoms
    xn = (m_in.T @ e) / n
    return _gcn(xn, src, dst, norm, Wc, bc)

if __name__ == "__main__":
    import jax
    _d = setup_inputs()
    print(jax.jit(kernel)(*tuple(_d.values())))

</pallas_src>

<mosaic_0001>
#map = affine_map<(d0, d1) -> (0, 0)>
module attributes {stable_mosaic.version = 14 : i64} {
  func.func @sc_kernel(%arg0: i32, %arg1: i32, %arg2: memref<136x128xi32, #tpu.memory_space<hbm>>, %arg3: memref<8192x128xf32, #tpu.memory_space<hbm>>, %arg4: memref<136x128xi32, #tpu.memory_space<vmem>>, %arg5: memref<32768xf32, #tpu.memory_space<vmem>>, %arg6: memref<256x128xf32, #tpu.memory_space<vmem>>) attributes {dimension_semantics = [#tpu.dimension_semantics<core_parallel>, #tpu.dimension_semantics<subcore_parallel>], iteration_bounds = array<i64: 2, 16>, scalar_prefetch = 0 : i64, scratch_operands = 3 : i64, tpu.core_type = #tpu.core_type<sc_vector_subcore>, window_params = [{transform_indices = #map}, {transform_indices = #map}]} {
    %mul3A = arith.constant 2 : i32
    %mul3A_0 = arith.muli %arg1, %mul3A : i32
    %add3A = arith.addi %mul3A_0, %arg0 : i32
    %mul3A_1 = arith.constant 32 : i32
    %mul3A_2 = arith.muli %add3A, %mul3A_1 : i32
    "tpu.region"() ({
      %run_scoped3A = tpu.sem_alloc : memref<!tpu.dma_semaphore, #tpu.memory_space<semaphore_mem>>
      tpu.enqueue_dma source(%arg2 : memref<136x128xi32, #tpu.memory_space<hbm>>) target(%arg4 : memref<136x128xi32, #tpu.memory_space<vmem>>) target_semaphore(%run_scoped3A : memref<!tpu.dma_semaphore, #tpu.memory_space<semaphore_mem>>)
      tpu.wait_dma2 semaphore(%run_scoped3A : memref<!tpu.dma_semaphore, #tpu.memory_space<semaphore_mem>>) src(%arg2 : memref<136x128xi32, #tpu.memory_space<hbm>>) dst(%arg4 : memref<136x128xi32, #tpu.memory_space<vmem>>)
      tpu.yield
    }) : () -> ()
    %broadcast_in_dim3A = arith.constant 0.000000e+00 : f32
    %broadcast_in_dim3A_3 = vector.broadcast %broadcast_in_dim3A : f32 to vector<16xf32>
    %broadcast_in_dim3A_4 = arith.constant 1.000000e+00 : f32
    %broadcast_in_dim3A_5 = vector.broadcast %broadcast_in_dim3A_4 : f32 to vector<16xf32>
    %scan3A = arith.constant 0 : i32
    %scan3A_6 = arith.constant 0 : i32
    %scan3A_7 = arith.constant 2048 : i32
    %scan3A_8 = arith.addi %scan3A_6, %scan3A_7 : i32
    %scan3A_9 = arith.constant 1 : i32
    %scan3A_10 = scf.for %scan3A_58 = %scan3A_6 to %scan3A_8 step %scan3A_9 iter_args(%scan3A_59 = %scan3A) -> (i32)  : i32 {
      %mul3A_60 = arith.constant 16 : i32
      %mul3A_61 = arith.muli %scan3A_58, %mul3A_60 : i32
      %swap3A = arith.index_cast %mul3A_61 : i32 to index
      %swap3A_62 = tpu.vector_load %arg5[%swap3A] {strides = array<i32>} : memref<32768xf32, #tpu.memory_space<vmem>>, vector<16xf32>,
      tpu.vector_store %arg5[%swap3A], %broadcast_in_dim3A_3 {strides = array<i32>} : memref<32768xf32, #tpu.memory_space<vmem>>, vector<16xf32>,
      %scan3A_63 = arith.constant 0 : i32
      scf.yield %scan3A_63 : i32
    }
    %scan3A_11 = arith.constant 2048 : i32
    %scan3A_12 = arith.constant 0 : i32
    %scan3A_13 = arith.constant 0 : i32
    %scan3A_14 = arith.constant 136 : i32
    %scan3A_15 = arith.addi %scan3A_13, %scan3A_14 : i32
    %scan3A_16 = arith.constant 1 : i32
    %scan3A_17 = scf.for %scan3A_58 = %scan3A_13 to %scan3A_15 step %scan3A_16 iter_args(%scan3A_59 = %scan3A_12) -> (i32)  : i32 {
      %get3A = arith.index_cast %scan3A_58 : i32 to index
      %get3A_60 = arith.constant 0 : index
      %get3A_61 = tpu.vector_load %arg4[%get3A, %get3A_60] {strides = array<i32>} : memref<136x128xi32, #tpu.memory_space<vmem>>, vector<16xi32>,
      %shift_right_logical3A = arith.constant 10 : i32
      %shift_right_logical3A_62 = vector.broadcast %shift_right_logical3A : i32 to vector<16xi32>
      %shift_right_logical3A_63 = arith.shrui %get3A_61, %shift_right_logical3A_62 : vector<16xi32>
      %and3A = arith.constant 127 : i32
      %and3A_64 = vector.broadcast %and3A : i32 to vector<16xi32>
      %and3A_65 = arith.andi %get3A_61, %and3A_64 : vector<16xi32>
      %shift_right_logical3A_66 = arith.constant 7 : i32
      %shift_right_logical3A_67 = vector.broadcast %shift_right_logical3A_66 : i32 to vector<16xi32>
      %shift_right_logical3A_68 = arith.shrui %get3A_61, %shift_right_logical3A_67 : vector<16xi32>
      %and3A_69 = arith.constant 7 : i32
      %and3A_70 = vector.broadcast %and3A_69 : i32 to vector<16xi32>
      %and3A_71 = arith.andi %shift_right_logical3A_68, %and3A_70 : vector<16xi32>
      %sub3A = vector.broadcast %mul3A_2 : i32 to vector<16xi32>
      %sub3A_72 = arith.subi %shift_right_logical3A_63, %sub3A : vector<16xi32>
      %ge3A = arith.constant 0 : i32
      %ge3A_73 = vector.broadcast %ge3A : i32 to vector<16xi32>
      %ge3A_74 = arith.cmpi sge, %sub3A_72, %ge3A_73 : vector<16xi32>
      %lt3A = arith.constant 32 : i32
      %lt3A_75 = vector.broadcast %lt3A : i32 to vector<16xi32>
      %lt3A_76 = arith.cmpi slt, %sub3A_72, %lt3A_75 : vector<16xi32>
      %and3A_77 = arith.andi %ge3A_74, %lt3A_76 : vector<16xi1>
      %mul3A_78 = arith.constant 32 : i32
      %mul3A_79 = vector.broadcast %mul3A_78 : i32 to vector<16xi32>
      %mul3A_80 = arith.muli %and3A_71, %mul3A_79 : vector<16xi32>
      %add3A_81 = arith.addi %mul3A_80, %sub3A_72 : vector<16xi32>
      %mul3A_82 = arith.constant 128 : i32
      %mul3A_83 = vector.broadcast %mul3A_82 : i32 to vector<16xi32>
      %mul3A_84 = arith.muli %add3A_81, %mul3A_83 : vector<16xi32>
      %add3A_85 = arith.addi %mul3A_84, %and3A_65 : vector<16xi32>
      %jit3A = arith.constant 0 : i32
      %broadcast_in_dim3A_86 = vector.broadcast %jit3A : i32 to vector<16xi32>
      %select_n3A = arith.select %and3A_77, %add3A_85, %broadcast_in_dim3A_86 : vector<16xi1>, vector<16xi32>
      tpu.vector_store_idx %arg5[%select_n3A], %broadcast_in_dim3A_5 masked %and3A_77 {add = true} : memref<32768xf32, #tpu.memory_space<vmem>>[vector<16xi32>], vector<16xf32>, vector<16xi1>
      %get3A_87 = arith.index_cast %scan3A_58 : i32 to index
      %get3A_88 = arith.constant 16 : index
      %get3A_89 = tpu.vector_load %arg4[%get3A_87, %get3A_88] {strides = array<i32>} : memref<136x128xi32, #tpu.memory_space<vmem>>, vector<16xi32>,
      %shift_right_logical3A_90 = arith.constant 10 : i32
      %shift_right_logical3A_91 = vector.broadcast %shift_right_logical3A_90 : i32 to vector<16xi32>
      %shift_right_logical3A_92 = arith.shrui %get3A_89, %shift_right_logical3A_91 : vector<16xi32>
      %and3A_93 = arith.constant 127 : i32
      %and3A_94 = vector.broadcast %and3A_93 : i32 to vector<16xi32>
      %and3A_95 = arith.andi %get3A_89, %and3A_94 : vector<16xi32>
      %shift_right_logical3A_96 = arith.constant 7 : i32
      %shift_right_logical3A_97 = vector.broadcast %shift_right_logical3A_96 : i32 to vector<16xi32>
      %shift_right_logical3A_98 = arith.shrui %get3A_89, %shift_right_logical3A_97 : vector<16xi32>
      %and3A_99 = arith.constant 7 : i32
      %and3A_100 = vector.broadcast %and3A_99 : i32 to vector<16xi32>
      %and3A_101 = arith.andi %shift_right_logical3A_98, %and3A_100 : vector<16xi32>
      %sub3A_102 = vector.broadcast %mul3A_2 : i32 to vector<16xi32>
      %sub3A_103 = arith.subi %shift_right_logical3A_92, %sub3A_102 : vector<16xi32>
      %ge3A_104 = arith.constant 0 : i32
      %ge3A_105 = vector.broadcast %ge3A_104 : i32 to vector<16xi32>
      %ge3A_106 = arith.cmpi sge, %sub3A_103, %ge3A_105 : vector<16xi32>
      %lt3A_107 = arith.constant 32 : i32
      %lt3A_108 = vector.broadcast %lt3A_107 : i32 to vector<16xi32>
      %lt3A_109 = arith.cmpi slt, %sub3A_103, %lt3A_108 : vector<16xi32>
      %and3A_110 = arith.andi %ge3A_106, %lt3A_109 : vector<16xi1>
      %mul3A_111 = arith.constant 32 : i32
      %mul3A_112 = vector.broadcast %mul3A_111 : i32 to vector<16xi32>
      %mul3A_113 = arith.muli %and3A_101, %mul3A_112 : vector<16xi32>
      %add3A_114 = arith.addi %mul3A_113, %sub3A_103 : vector<16xi32>
      %mul3A_115 = arith.constant 128 : i32
      %mul3A_116 = vector.broadcast %mul3A_115 : i32 to vector<16xi32>
      %mul3A_117 = arith.muli %add3A_114, %mul3A_116 : vector<16xi32>
      %add3A_118 = arith.addi %mul3A_117, %and3A_95 : vector<16xi32>
      %jit3A_119 = arith.constant 0 : i32
      %broadcast_in_dim3A_120 = vector.broadcast %jit3A_119 : i32 to vector<16xi32>
      %select_n3A_121 = arith.select %and3A_110, %add3A_118, %broadcast_in_dim3A_120 : vector<16xi1>, vector<16xi32>
      tpu.vector_store_idx %arg5[%select_n3A_121], %broadcast_in_dim3A_5 masked %and3A_110 {add = true} : memref<32768xf32, #tpu.memory_space<vmem>>[vector<16xi32>], vector<16xf32>, vector<16xi1>
      %get3A_122 = arith.index_cast %scan3A_58 : i32 to index
      %get3A_123 = arith.constant 32 : index
      %get3A_124 = tpu.vector_load %arg4[%get3A_122, %get3A_123] {strides = array<i32>} : memref<136x128xi32, #tpu.memory_space<vmem>>, vector<16xi32>,
      %shift_right_logical3A_125 = arith.constant 10 : i32
      %shift_right_logical3A_126 = vector.broadcast %shift_right_logical3A_125 : i32 to vector<16xi32>
      %shift_right_logical3A_127 = arith.shrui %get3A_124, %shift_right_logical3A_126 : vector<16xi32>
      %and3A_128 = arith.constant 127 : i32
      %and3A_129 = vector.broadcast %and3A_128 : i32 to vector<16xi32>
      %and3A_130 = arith.andi %get3A_124, %and3A_129 : vector<16xi32>
      %shift_right_logical3A_131 = arith.constant 7 : i32
      %shift_right_logical3A_132 = vector.broadcast %shift_right_logical3A_131 : i32 to vector<16xi32>
      %shift_right_logical3A_133 = arith.shrui %get3A_124, %shift_right_logical3A_132 : vector<16xi32>
      %and3A_134 = arith.constant 7 : i32
      %and3A_135 = vector.broadcast %and3A_134 : i32 to vector<16xi32>
      %and3A_136 = arith.andi %shift_right_logical3A_133, %and3A_135 : vector<16xi32>
      %sub3A_137 = vector.broadcast %mul3A_2 : i32 to vector<16xi32>
      %sub3A_138 = arith.subi %shift_right_logical3A_127, %sub3A_137 : vector<16xi32>
      %ge3A_139 = arith.constant 0 : i32
      %ge3A_140 = vector.broadcast %ge3A_139 : i32 to vector<16xi32>
      %ge3A_141 = arith.cmpi sge, %sub3A_138, %ge3A_140 : vector<16xi32>
      %lt3A_142 = arith.constant 32 : i32
      %lt3A_143 = vector.broadcast %lt3A_142 : i32 to vector<16xi32>
      %lt3A_144 = arith.cmpi slt, %sub3A_138, %lt3A_143 : vector<16xi32>
      %and3A_145 = arith.andi %ge3A_141, %lt3A_144 : vector<16xi1>
      %mul3A_146 = arith.constant 32 : i32
      %mul3A_147 = vector.broadcast %mul3A_146 : i32 to vector<16xi32>
      %mul3A_148 = arith.muli %and3A_136, %mul3A_147 : vector<16xi32>
      %add3A_149 = arith.addi %mul3A_148, %sub3A_138 : vector<16xi32>
      %mul3A_150 = arith.constant 128 : i32
      %mul3A_151 = vector.broadcast %mul3A_150 : i32 to vector<16xi32>
      %mul3A_152 = arith.muli %add3A_149, %mul3A_151 : vector<16xi32>
      %add3A_153 = arith.addi %mul3A_152, %and3A_130 : vector<16xi32>
      %jit3A_154 = arith.constant 0 : i32
      %broadcast_in_dim3A_155 = vector.broadcast %jit3A_154 : i32 to vector<16xi32>
      %select_n3A_156 = arith.select %and3A_145, %add3A_153, %broadcast_in_dim3A_155 : vector<16xi1>, vector<16xi32>
      tpu.vector_store_idx %arg5[%select_n3A_156], %broadcast_in_dim3A_5 masked %and3A_145 {add = true} : memref<32768xf32, #tpu.memory_space<vmem>>[vector<16xi32>], vector<16xf32>, vector<16xi1>
      %get3A_157 = arith.index_cast %scan3A_58 : i32 to index
      %get3A_158 = arith.constant 48 : index
      %get3A_159 = tpu.vector_load %arg4[%get3A_157, %get3A_158] {strides = array<i32>} : memref<136x128xi32, #tpu.memory_space<vmem>>, vector<16xi32>,
      %shift_right_logical3A_160 = arith.constant 10 : i32
      %shift_right_logical3A_161 = vector.broadcast %shift_right_logical3A_160 : i32 to vector<16xi32>
      %shift_right_logical3A_162 = arith.shrui %get3A_159, %shift_right_logical3A_161 : vector<16xi32>
      %and3A_163 = arith.constant 127 : i32
      %and3A_164 = vector.broadcast %and3A_163 : i32 to vector<16xi32>
      %and3A_165 = arith.andi %get3A_159, %and3A_164 : vector<16xi32>
      %shift_right_logical3A_166 = arith.constant 7 : i32
      %shift_right_logical3A_167 = vector.broadcast %shift_right_logical3A_166 : i32 to vector<16xi32>
      %shift_right_logical3A_168 = arith.shrui %get3A_159, %shift_right_logical3A_167 : vector<16xi32>
      %and3A_169 = arith.constant 7 : i32
      %and3A_170 = vector.broadcast %and3A_169 : i32 to vector<16xi32>
      %and3A_171 = arith.andi %shift_right_logical3A_168, %and3A_170 : vector<16xi32>
      %sub3A_172 = vector.broadcast %mul3A_2 : i32 to vector<16xi32>
      %sub3A_173 = arith.subi %shift_right_logical3A_162, %sub3A_172 : vector<16xi32>
      %ge3A_174 = arith.constant 0 : i32
      %ge3A_175 = vector.broadcast %ge3A_174 : i32 to vector<16xi32>
      %ge3A_176 = arith.cmpi sge, %sub3A_173, %ge3A_175 : vector<16xi32>
      %lt3A_177 = arith.constant 32 : i32
      %lt3A_178 = vector.broadcast %lt3A_177 : i32 to vector<16xi32>
      %lt3A_179 = arith.cmpi slt, %sub3A_173, %lt3A_178 : vector<16xi32>
      %and3A_180 = arith.andi %ge3A_176, %lt3A_179 : vector<16xi1>
      %mul3A_181 = arith.constant 32 : i32
      %mul3A_182 = vector.broadcast %mul3A_181 : i32 to vector<16xi32>
      %mul3A_183 = arith.muli %and3A_171, %mul3A_182 : vector<16xi32>
      %add3A_184 = arith.addi %mul3A_183, %sub3A_173 : vector<16xi32>
      %mul3A_185 = arith.constant 128 : i32
      %mul3A_186 = vector.broadcast %mul3A_185 : i32 to vector<16xi32>
      %mul3A_187 = arith.muli %add3A_184, %mul3A_186 : vector<16xi32>
      %add3A_188 = arith.addi %mul3A_187, %and3A_165 : vector<16xi32>
      %jit3A_189 = arith.constant 0 : i32
      %broadcast_in_dim3A_190 = vector.broadcast %jit3A_189 : i32 to vector<16xi32>
      %select_n3A_191 = arith.select %and3A_180, %add3A_188, %broadcast_in_dim3A_190 : vector<16xi1>, vector<16xi32>
      tpu.vector_store_idx %arg5[%select_n3A_191], %broadcast_in_dim3A_5 masked %and3A_180 {add = true} : memref<32768xf32, #tpu.memory_space<vmem>>[vector<16xi32>], vector<16xf32>, vector<16xi1>
      %get3A_192 = arith.index_cast %scan3A_58 : i32 to index
      %get3A_193 = arith.constant 64 : index
      %get3A_194 = tpu.vector_load %arg4[%get3A_192, %get3A_193] {strides = array<i32>} : memref<136x128xi32, #tpu.memory_space<vmem>>, vector<16xi32>,
      %shift_right_logical3A_195 = arith.constant 10 : i32
      %shift_right_logical3A_196 = vector.broadcast %shift_right_logical3A_195 : i32 to vector<16xi32>
      %shift_right_logical3A_197 = arith.shrui %get3A_194, %shift_right_logical3A_196 : vector<16xi32>
      %and3A_198 = arith.constant 127 : i32
      %and3A_199 = vector.broadcast %and3A_198 : i32 to vector<16xi32>
      %and3A_200 = arith.andi %get3A_194, %and3A_199 : vector<16xi32>
      %shift_right_logical3A_201 = arith.constant 7 : i32
      %shift_right_logical3A_202 = vector.broadcast %shift_right_logical3A_201 : i32 to vector<16xi32>
      %shift_right_logical3A_203 = arith.shrui %get3A_194, %shift_right_logical3A_202 : vector<16xi32>
      %and3A_204 = arith.constant 7 : i32
      %and3A_205 = vector.broadcast %and3A_204 : i32 to vector<16xi32>
      %and3A_206 = arith.andi %shift_right_logical3A_203, %and3A_205 : vector<16xi32>
      %sub3A_207 = vector.broadcast %mul3A_2 : i32 to vector<16xi32>
      %sub3A_208 = arith.subi %shift_right_logical3A_197, %sub3A_207 : vector<16xi32>
      %ge3A_209 = arith.constant 0 : i32
      %ge3A_210 = vector.broadcast %ge3A_209 : i32 to vector<16xi32>
      %ge3A_211 = arith.cmpi sge, %sub3A_208, %ge3A_210 : vector<16xi32>
      %lt3A_212 = arith.constant 32 : i32
      %lt3A_213 = vector.broadcast %lt3A_212 : i32 to vector<16xi32>
      %lt3A_214 = arith.cmpi slt, %sub3A_208, %lt3A_213 : vector<16xi32>
      %and3A_215 = arith.andi %ge3A_211, %lt3A_214 : vector<16xi1>
      %mul3A_216 = arith.constant 32 : i32
      %mul3A_217 = vector.broadcast %mul3A_216 : i32 to vector<16xi32>
      %mul3A_218 = arith.muli %and3A_206, %mul3A_217 : vector<16xi32>
      %add3A_219 = arith.addi %mul3A_218, %sub3A_208 : vector<16xi32>
      %mul3A_220 = arith.constant 128 : i32
      %mul3A_221 = vector.broadcast %mul3A_220 : i32 to vector<16xi32>
      %mul3A_222 = arith.muli %add3A_219, %mul3A_221 : vector<16xi32>
      %add3A_223 = arith.addi %mul3A_222, %and3A_200 : vector<16xi32>
      %jit3A_224 = arith.constant 0 : i32
      %broadcast_in_dim3A_225 = vector.broadcast %jit3A_224 : i32 to vector<16xi32>
      %select_n3A_226 = arith.select %and3A_215, %add3A_223, %broadcast_in_dim3A_225 : vector<16xi1>, vector<16xi32>
      tpu.vector_store_idx %arg5[%select_n3A_226], %broadcast_in_dim3A_5 masked %and3A_215 {add = true} : memref<32768xf32, #tpu.memory_space<vmem>>[vector<16xi32>], vector<16xf32>, vector<16xi1>
      %get3A_227 = arith.index_cast %scan3A_58 : i32 to index
      %get3A_228 = arith.constant 80 : index
      %get3A_229 = tpu.vector_load %arg4[%get3A_227, %get3A_228] {strides = array<i32>} : memref<136x128xi32, #tpu.memory_space<vmem>>, vector<16xi32>,
      %shift_right_logical3A_230 = arith.constant 10 : i32
      %shift_right_logical3A_231 = vector.broadcast %shift_right_logical3A_230 : i32 to vector<16xi32>
      %shift_right_logical3A_232 = arith.shrui %get3A_229, %shift_right_logical3A_231 : vector<16xi32>
      %and3A_233 = arith.constant 127 : i32
      %and3A_234 = vector.broadcast %and3A_233 : i32 to vector<16xi32>
      %and3A_235 = arith.andi %get3A_229, %and3A_234 : vector<16xi32>
      %shift_right_logical3A_236 = arith.constant 7 : i32
      %shift_right_logical3A_237 = vector.broadcast %shift_right_logical3A_236 : i32 to vector<16xi32>
      %shift_right_logical3A_238 = arith.shrui %get3A_229, %shift_right_logical3A_237 : vector<16xi32>
      %and3A_239 = arith.constant 7 : i32
      %and3A_240 = vector.broadcast %and3A_239 : i32 to vector<16xi32>
      %and3A_241 = arith.andi %shift_right_logical3A_238, %and3A_240 : vector<16xi32>
      %sub3A_242 = vector.broadcast %mul3A_2 : i32 to vector<16xi32>
      %sub3A_243 = arith.subi %shift_right_logical3A_232, %sub3A_242 : vector<16xi32>
      %ge3A_244 = arith.constant 0 : i32
      %ge3A_245 = vector.broadcast %ge3A_244 : i32 to vector<16xi32>
      %ge3A_246 = arith.cmpi sge, %sub3A_243, %ge3A_245 : vector<16xi32>
      %lt3A_247 = arith.constant 32 : i32
      %lt3A_248 = vector.broadcast %lt3A_247 : i32 to vector<16xi32>
      %lt3A_249 = arith.cmpi slt, %sub3A_243, %lt3A_248 : vector<16xi32>
      %and3A_250 = arith.andi %ge3A_246, %lt3A_249 : vector<16xi1>
      %mul3A_251 = arith.constant 32 : i32
      %mul3A_252 = vector.broadcast %mul3A_251 : i32 to vector<16xi32>
      %mul3A_253 = arith.muli %and3A_241, %mul3A_252 : vector<16xi32>
      %add3A_254 = arith.addi %mul3A_253, %sub3A_243 : vector<16xi32>
      %mul3A_255 = arith.constant 128 : i32
      %mul3A_256 = vector.broadcast %mul3A_255 : i32 to vector<16xi32>
      %mul3A_257 = arith.muli %add3A_254, %mul3A_256 : vector<16xi32>
      %add3A_258 = arith.addi %mul3A_257, %and3A_235 : vector<16xi32>
      %jit3A_259 = arith.constant 0 : i32
      %broadcast_in_dim3A_260 = vector.broadcast %jit3A_259 : i32 to vector<16xi32>
      %select_n3A_261 = arith.select %and3A_250, %add3A_258, %broadcast_in_dim3A_260 : vector<16xi1>, vector<16xi32>
      tpu.vector_store_idx %arg5[%select_n3A_261], %broadcast_in_dim3A_5 masked %and3A_250 {add = true} : memref<32768xf32, #tpu.memory_space<vmem>>[vector<16xi32>], vector<16xf32>, vector<16xi1>
      %get3A_262 = arith.index_cast %scan3A_58 : i32 to index
      %get3A_263 = arith.constant 96 : index
      %get3A_264 = tpu.vector_load %arg4[%get3A_262, %get3A_263] {strides = array<i32>} : memref<136x128xi32, #tpu.memory_space<vmem>>, vector<16xi32>,
      %shift_right_logical3A_265 = arith.constant 10 : i32
      %shift_right_logical3A_266 = vector.broadcast %shift_right_logical3A_265 : i32 to vector<16xi32>
      %shift_right_logical3A_267 = arith.shrui %get3A_264, %shift_right_logical3A_266 : vector<16xi32>
      %and3A_268 = arith.constant 127 : i32
      %and3A_269 = vector.broadcast %and3A_268 : i32 to vector<16xi32>
      %and3A_270 = arith.andi %get3A_264, %and3A_269 : vector<16xi32>
      %shift_right_logical3A_271 = arith.constant 7 : i32
      %shift_right_logical3A_272 = vector.broadcast %shift_right_logical3A_271 : i32 to vector<16xi32>
      %shift_right_logical3A_273 = arith.shrui %get3A_264, %shift_right_logical3A_272 : vector<16xi32>
      %and3A_274 = arith.constant 7 : i32
      %and3A_275 = vector.broadcast %and3A_274 : i32 to vector<16xi32>
      %and3A_276 = arith.andi %shift_right_logical3A_273, %and3A_275 : vector<16xi32>
      %sub3A_277 = vector.broadcast %mul3A_2 : i32 to vector<16xi32>
      %sub3A_278 = arith.subi %shift_right_logical3A_267, %sub3A_277 : vector<16xi32>
      %ge3A_279 = arith.constant 0 : i32
      %ge3A_280 = vector.broadcast %ge3A_279 : i32 to vector<16xi32>
      %ge3A_281 = arith.cmpi sge, %sub3A_278, %ge3A_280 : vector<16xi32>
      %lt3A_282 = arith.constant 32 : i32
      %lt3A_283 = vector.broadcast %lt3A_282 : i32 to vector<16xi32>
      %lt3A_284 = arith.cmpi slt, %sub3A_278, %lt3A_283 : vector<16xi32>
      %and3A_285 = arith.andi %ge3A_281, %lt3A_284 : vector<16xi1>
      %mul3A_286 = arith.constant 32 : i32
      %mul3A_287 = vector.broadcast %mul3A_286 : i32 to vector<16xi32>
      %mul3A_288 = arith.muli %and3A_276, %mul3A_287 : vector<16xi32>
      %add3A_289 = arith.addi %mul3A_288, %sub3A_278 : vector<16xi32>
      %mul3A_290 = arith.constant 128 : i32
      %mul3A_291 = vector.broadcast %mul3A_290 : i32 to vector<16xi32>
      %mul3A_292 = arith.muli %add3A_289, %mul3A_291 : vector<16xi32>
      %add3A_293 = arith.addi %mul3A_292, %and3A_270 : vector<16xi32>
      %jit3A_294 = arith.constant 0 : i32
      %broadcast_in_dim3A_295 = vector.broadcast %jit3A_294 : i32 to vector<16xi32>
      %select_n3A_296 = arith.select %and3A_285, %add3A_293, %broadcast_in_dim3A_295 : vector<16xi1>, vector<16xi32>
      tpu.vector_store_idx %arg5[%select_n3A_296], %broadcast_in_dim3A_5 masked %and3A_285 {add = true} : memref<32768xf32, #tpu.memory_space<vmem>>[vector<16xi32>], vector<16xf32>, vector<16xi1>
      %get3A_297 = arith.index_cast %scan3A_58 : i32 to index
      %get3A_298 = arith.constant 112 : index
      %get3A_299 = tpu.vector_load %arg4[%get3A_297, %get3A_298] {strides = array<i32>} : memref<136x128xi32, #tpu.memory_space<vmem>>, vector<16xi32>,
      %shift_right_logical3A_300 = arith.constant 10 : i32
      %shift_right_logical3A_301 = vector.broadcast %shift_right_logical3A_300 : i32 to vector<16xi32>
      %shift_right_logical3A_302 = arith.shrui %get3A_299, %shift_right_logical3A_301 : vector<16xi32>
      %and3A_303 = arith.constant 127 : i32
      %and3A_304 = vector.broadcast %and3A_303 : i32 to vector<16xi32>
      %and3A_305 = arith.andi %get3A_299, %and3A_304 : vector<16xi32>
      %shift_right_logical3A_306 = arith.constant 7 : i32
      %shift_right_logical3A_307 = vector.broadcast %shift_right_logical3A_306 : i32 to vector<16xi32>
      %shift_right_logical3A_308 = arith.shrui %get3A_299, %shift_right_logical3A_307 : vector<16xi32>
      %and3A_309 = arith.constant 7 : i32
      %and3A_310 = vector.broadcast %and3A_309 : i32 to vector<16xi32>
      %and3A_311 = arith.andi %shift_right_logical3A_308, %and3A_310 : vector<16xi32>
      %sub3A_312 = vector.broadcast %mul3A_2 : i32 to vector<16xi32>
      %sub3A_313 = arith.subi %shift_right_logical3A_302, %sub3A_312 : vector<16xi32>
      %ge3A_314 = arith.constant 0 : i32
      %ge3A_315 = vector.broadcast %ge3A_314 : i32 to vector<16xi32>
      %ge3A_316 = arith.cmpi sge, %sub3A_313, %ge3A_315 : vector<16xi32>
      %lt3A_317 = arith.constant 32 : i32
      %lt3A_318 = vector.broadcast %lt3A_317 : i32 to vector<16xi32>
      %lt3A_319 = arith.cmpi slt, %sub3A_313, %lt3A_318 : vector<16xi32>
      %and3A_320 = arith.andi %ge3A_316, %lt3A_319 : vector<16xi1>
      %mul3A_321 = arith.constant 32 : i32
      %mul3A_322 = vector.broadcast %mul3A_321 : i32 to vector<16xi32>
      %mul3A_323 = arith.muli %and3A_311, %mul3A_322 : vector<16xi32>
      %add3A_324 = arith.addi %mul3A_323, %sub3A_313 : vector<16xi32>
      %mul3A_325 = arith.constant 128 : i32
      %mul3A_326 = vector.broadcast %mul3A_325 : i32 to vector<16xi32>
      %mul3A_327 = arith.muli %add3A_324, %mul3A_326 : vector<16xi32>
      %add3A_328 = arith.addi %mul3A_327, %and3A_305 : vector<16xi32>
      %jit3A_329 = arith.constant 0 : i32
      %broadcast_in_dim3A_330 = vector.broadcast %jit3A_329 : i32 to vector<16xi32>
      %select_n3A_331 = arith.select %and3A_320, %add3A_328, %broadcast_in_dim3A_330 : vector<16xi1>, vector<16xi32>
      tpu.vector_store_idx %arg5[%select_n3A_331], %broadcast_in_dim3A_5 masked %and3A_320 {add = true} : memref<32768xf32, #tpu.memory_space<vmem>>[vector<16xi32>], vector<16xf32>, vector<16xi1>
      %scan3A_332 = arith.constant 0 : i32
      scf.yield %scan3A_332 : i32
    }
    %scan3A_18 = arith.constant 136 : i32
    %scan3A_19 = arith.constant 0 : i32
    %scan3A_20 = arith.constant 0 : i32
    %scan3A_21 = arith.constant 256 : i32
    %scan3A_22 = arith.addi %scan3A_20, %scan3A_21 : i32
    %scan3A_23 = arith.constant 1 : i32
    %scan3A_24 = scf.for %scan3A_58 = %scan3A_20 to %scan3A_22 step %scan3A_23 iter_args(%scan3A_59 = %scan3A_19) -> (i32)  : i32 {
      %mul3A_60 = arith.constant 128 : i32
      %mul3A_61 = arith.muli %scan3A_58, %mul3A_60 : i32
      %add3A_62 = arith.constant 0 : i32
      %add3A_63 = arith.addi %mul3A_61, %add3A_62 : i32
      %get3A = arith.index_cast %add3A_63 : i32 to index
      %get3A_64 = tpu.vector_load %arg5[%get3A] {strides = array<i32>} : memref<32768xf32, #tpu.memory_space<vmem>>, vector<16xf32>,
      %swap3A = arith.index_cast %scan3A_58 : i32 to index
      %swap3A_65 = arith.constant 0 : index
      %swap3A_66 = tpu.vector_load %arg6[%swap3A, %swap3A_65] {strides = array<i32>} : memref<256x128xf32, #tpu.memory_space<vmem>>, vector<16xf32>,
      tpu.vector_store %arg6[%swap3A, %swap3A_65], %get3A_64 {strides = array<i32>} : memref<256x128xf32, #tpu.memory_space<vmem>>, vector<16xf32>,
      %mul3A_67 = arith.constant 128 : i32
      %mul3A_68 = arith.muli %scan3A_58, %mul3A_67 : i32
      %add3A_69 = arith.constant 16 : i32
      %add3A_70 = arith.addi %mul3A_68, %add3A_69 : i32
      %get3A_71 = arith.index_cast %add3A_70 : i32 to index
      %get3A_72 = tpu.vector_load %arg5[%get3A_71] {strides = array<i32>} : memref<32768xf32, #tpu.memory_space<vmem>>, vector<16xf32>,
      %swap3A_73 = arith.index_cast %scan3A_58 : i32 to index
      %swap3A_74 = arith.constant 16 : index
      %swap3A_75 = tpu.vector_load %arg6[%swap3A_73, %swap3A_74] {strides = array<i32>} : memref<256x128xf32, #tpu.memory_space<vmem>>, vector<16xf32>,
      tpu.vector_store %arg6[%swap3A_73, %swap3A_74], %get3A_72 {strides = array<i32>} : memref<256x128xf32, #tpu.memory_space<vmem>>, vector<16xf32>,
      %mul3A_76 = arith.constant 128 : i32
      %mul3A_77 = arith.muli %scan3A_58, %mul3A_76 : i32
      %add3A_78 = arith.constant 32 : i32
      %add3A_79 = arith.addi %mul3A_77, %add3A_78 : i32
      %get3A_80 = arith.index_cast %add3A_79 : i32 to index
      %get3A_81 = tpu.vector_load %arg5[%get3A_80] {strides = array<i32>} : memref<32768xf32, #tpu.memory_space<vmem>>, vector<16xf32>,
      %swap3A_82 = arith.index_cast %scan3A_58 : i32 to index
      %swap3A_83 = arith.constant 32 : index
      %swap3A_84 = tpu.vector_load %arg6[%swap3A_82, %swap3A_83] {strides = array<i32>} : memref<256x128xf32, #tpu.memory_space<vmem>>, vector<16xf32>,
      tpu.vector_store %arg6[%swap3A_82, %swap3A_83], %get3A_81 {strides = array<i32>} : memref<256x128xf32, #tpu.memory_space<vmem>>, vector<16xf32>,
      %mul3A_85 = arith.constant 128 : i32
      %mul3A_86 = arith.muli %scan3A_58, %mul3A_85 : i32
      %add3A_87 = arith.constant 48 : i32
      %add3A_88 = arith.addi %mul3A_86, %add3A_87 : i32
      %get3A_89 = arith.index_cast %add3A_88 : i32 to index
      %get3A_90 = tpu.vector_load %arg5[%get3A_89] {strides = array<i32>} : memref<32768xf32, #tpu.memory_space<vmem>>, vector<16xf32>,
      %swap3A_91 = arith.index_cast %scan3A_58 : i32 to index
      %swap3A_92 = arith.constant 48 : index
      %swap3A_93 = tpu.vector_load %arg6[%swap3A_91, %swap3A_92] {strides = array<i32>} : memref<256x128xf32, #tpu.memory_space<vmem>>, vector<16xf32>,
      tpu.vector_store %arg6[%swap3A_91, %swap3A_92], %get3A_90 {strides = array<i32>} : memref<256x128xf32, #tpu.memory_space<vmem>>, vector<16xf32>,
      %mul3A_94 = arith.constant 128 : i32
      %mul3A_95 = arith.muli %scan3A_58, %mul3A_94 : i32
      %add3A_96 = arith.constant 64 : i32
      %add3A_97 = arith.addi %mul3A_95, %add3A_96 : i32
      %get3A_98 = arith.index_cast %add3A_97 : i32 to index
      %get3A_99 = tpu.vector_load %arg5[%get3A_98] {strides = array<i32>} : memref<32768xf32, #tpu.memory_space<vmem>>, vector<16xf32>,
      %swap3A_100 = arith.index_cast %scan3A_58 : i32 to index
      %swap3A_101 = arith.constant 64 : index
      %swap3A_102 = tpu.vector_load %arg6[%swap3A_100, %swap3A_101] {strides = array<i32>} : memref<256x128xf32, #tpu.memory_space<vmem>>, vector<16xf32>,
      tpu.vector_store %arg6[%swap3A_100, %swap3A_101], %get3A_99 {strides = array<i32>} : memref<256x128xf32, #tpu.memory_space<vmem>>, vector<16xf32>,
      %mul3A_103 = arith.constant 128 : i32
      %mul3A_104 = arith.muli %scan3A_58, %mul3A_103 : i32
      %add3A_105 = arith.constant 80 : i32
      %add3A_106 = arith.addi %mul3A_104, %add3A_105 : i32
      %get3A_107 = arith.index_cast %add3A_106 : i32 to index
      %get3A_108 = tpu.vector_load %arg5[%get3A_107] {strides = array<i32>} : memref<32768xf32, #tpu.memory_space<vmem>>, vector<16xf32>,
      %swap3A_109 = arith.index_cast %scan3A_58 : i32 to index
      %swap3A_110 = arith.constant 80 : index
      %swap3A_111 = tpu.vector_load %arg6[%swap3A_109, %swap3A_110] {strides = array<i32>} : memref<256x128xf32, #tpu.memory_space<vmem>>, vector<16xf32>,
      tpu.vector_store %arg6[%swap3A_109, %swap3A_110], %get3A_108 {strides = array<i32>} : memref<256x128xf32, #tpu.memory_space<vmem>>, vector<16xf32>,
      %mul3A_112 = arith.constant 128 : i32
      %mul3A_113 = arith.muli %scan3A_58, %mul3A_112 : i32
      %add3A_114 = arith.constant 96 : i32
      %add3A_115 = arith.addi %mul3A_113, %add3A_114 : i32
      %get3A_116 = arith.index_cast %add3A_115 : i32 to index
      %get3A_117 = tpu.vector_load %arg5[%get3A_116] {strides = array<i32>} : memref<32768xf32, #tpu.memory_space<vmem>>, vector<16xf32>,
      %swap3A_118 = arith.index_cast %scan3A_58 : i32 to index
      %swap3A_119 = arith.constant 96 : index
      %swap3A_120 = tpu.vector_load %arg6[%swap3A_118, %swap3A_119] {strides = array<i32>} : memref<256x128xf32, #tpu.memory_space<vmem>>, vector<16xf32>,
      tpu.vector_store %arg6[%swap3A_118, %swap3A_119], %get3A_117 {strides = array<i32>} : memref<256x128xf32, #tpu.memory_space<vmem>>, vector<16xf32>,
      %mul3A_121 = arith.constant 128 : i32
      %mul3A_122 = arith.muli %scan3A_58, %mul3A_121 : i32
      %add3A_123 = arith.constant 112 : i32
      %add3A_124 = arith.addi %mul3A_122, %add3A_123 : i32
      %get3A_125 = arith.index_cast %add3A_124 : i32 to index
      %get3A_126 = tpu.vector_load %arg5[%get3A_125] {strides = array<i32>} : memref<32768xf32, #tpu.memory_space<vmem>>, vector<16xf32>,
      %swap3A_127 = arith.index_cast %scan3A_58 : i32 to index
      %swap3A_128 = arith.constant 112 : index
      %swap3A_129 = tpu.vector_load %arg6[%swap3A_127, %swap3A_128] {strides = array<i32>} : memref<256x128xf32, #tpu.memory_space<vmem>>, vector<16xf32>,
      tpu.vector_store %arg6[%swap3A_127, %swap3A_128], %get3A_126 {strides = array<i32>} : memref<256x128xf32, #tpu.memory_space<vmem>>, vector<16xf32>,
      %scan3A_130 = arith.constant 0 : i32
      scf.yield %scan3A_130 : i32
    }
    %scan3A_25 = arith.constant 256 : i32
    %mul3A_26 = arith.constant 32 : i32
    %mul3A_27 = arith.muli %add3A, %mul3A_26 : i32
    %add3A_28 = arith.constant 0 : i32
    %add3A_29 = arith.addi %add3A_28, %mul3A_27 : i32
    "tpu.region"() ({
      %run_scoped3A = tpu.sem_alloc : memref<!tpu.dma_semaphore, #tpu.memory_space<semaphore_mem>>
      %dma_start3A = arith.constant 0 : i32
      %dma_start3A_58 = arith.constant 0 : i32
      %dma_start3A_59 = tpu.memref_slice %arg6[%dma_start3A, %dma_start3A_58] : memref<256x128xf32, #tpu.memory_space<vmem>> -> memref<32x128xf32, #tpu.memory_space<vmem>>
      %dma_start3A_60 = arith.constant 0 : i32
      %dma_start3A_61 = tpu.memref_slice %arg3[%add3A_29, %dma_start3A_60] : memref<8192x128xf32, #tpu.memory_space<hbm>> -> memref<32x128xf32, #tpu.memory_space<hbm>>
      %dma_start3A_62 = arith.constant 0 : i32
      %dma_start3A_63 = tpu.memref_slice %arg3[%add3A_29, %dma_start3A_62] : memref<8192x128xf32, #tpu.memory_space<hbm>> -> memref<32x128xf32, #tpu.memory_space<hbm>>
      %dma_start3A_64 = arith.constant 0 : i32
      %dma_start3A_65 = arith.constant 0 : i32
      %dma_start3A_66 = tpu.memref_slice %arg6[%dma_start3A_64, %dma_start3A_65] : memref<256x128xf32, #tpu.memory_space<vmem>> -> memref<32x128xf32, #tpu.memory_space<vmem>>
      tpu.enqueue_dma source(%dma_start3A_66 : memref<32x128xf32, #tpu.memory_space<vmem>>) target(%dma_start3A_63 : memref<32x128xf32, #tpu.memory_space<hbm>>) target_semaphore(%run_scoped3A : memref<!tpu.dma_semaphore, #tpu.memory_space<semaphore_mem>>)
      %dma_wait3A = arith.constant 0 : i32
      %dma_wait3A_67 = arith.constant 0 : i32
      %dma_wait3A_68 = tpu.memref_slice %arg6[%dma_wait3A, %dma_wait3A_67] : memref<256x128xf32, #tpu.memory_space<vmem>> -> memref<32x128xf32, #tpu.memory_space<vmem>>
      %dma_wait3A_69 = arith.constant 0 : i32
      %dma_wait3A_70 = tpu.memref_slice %arg3[%add3A_29, %dma_wait3A_69] : memref<8192x128xf32, #tpu.memory_space<hbm>> -> memref<32x128xf32, #tpu.memory_space<hbm>>
      %dma_wait3A_71 = arith.constant 0 : i32
      %dma_wait3A_72 = tpu.memref_slice %arg3[%add3A_29, %dma_wait3A_71] : memref<8192x128xf32, #tpu.memory_space<hbm>> -> memref<32x128xf32, #tpu.memory_space<hbm>>
      %dma_wait3A_73 = arith.constant 0 : i32
      %dma_wait3A_74 = arith.constant 0 : i32
      %dma_wait3A_75 = tpu.memref_slice %arg6[%dma_wait3A_73, %dma_wait3A_74] : memref<256x128xf32, #tpu.memory_space<vmem>> -> memref<32x128xf32, #tpu.memory_space<vmem>>
      tpu.wait_dma2 semaphore(%run_scoped3A : memref<!tpu.dma_semaphore, #tpu.memory_space<semaphore_mem>>) src(%dma_wait3A_75 : memref<32x128xf32, #tpu.memory_space<vmem>>) dst(%dma_wait3A_72 : memref<32x128xf32, #tpu.memory_space<hbm>>)
      tpu.yield
    }) : () -> ()
    %mul3A_30 = arith.constant 32 : i32
    %mul3A_31 = arith.muli %add3A, %mul3A_30 : i32
    %add3A_32 = arith.constant 1024 : i32
    %add3A_33 = arith.addi %add3A_32, %mul3A_31 : i32
    "tpu.region"() ({
      %run_scoped3A = tpu.sem_alloc : memref<!tpu.dma_semaphore, #tpu.memory_space<semaphore_mem>>
      %dma_start3A = arith.constant 32 : i32
      %dma_start3A_58 = arith.constant 0 : i32
      %dma_start3A_59 = tpu.memref_slice %arg6[%dma_start3A, %dma_start3A_58] : memref<256x128xf32, #tpu.memory_space<vmem>> -> memref<32x128xf32, #tpu.memory_space<vmem>>
      %dma_start3A_60 = arith.constant 0 : i32
      %dma_start3A_61 = tpu.memref_slice %arg3[%add3A_33, %dma_start3A_60] : memref<8192x128xf32, #tpu.memory_space<hbm>> -> memref<32x128xf32, #tpu.memory_space<hbm>>
      %dma_start3A_62 = arith.constant 0 : i32
      %dma_start3A_63 = tpu.memref_slice %arg3[%add3A_33, %dma_start3A_62] : memref<8192x128xf32, #tpu.memory_space<hbm>> -> memref<32x128xf32, #tpu.memory_space<hbm>>
      %dma_start3A_64 = arith.constant 32 : i32
      %dma_start3A_65 = arith.constant 0 : i32
      %dma_start3A_66 = tpu.memref_slice %arg6[%dma_start3A_64, %dma_start3A_65] : memref<256x128xf32, #tpu.memory_space<vmem>> -> memref<32x128xf32, #tpu.memory_space<vmem>>
      tpu.enqueue_dma source(%dma_start3A_66 : memref<32x128xf32, #tpu.memory_space<vmem>>) target(%dma_start3A_63 : memref<32x128xf32, #tpu.memory_space<hbm>>) target_semaphore(%run_scoped3A : memref<!tpu.dma_semaphore, #tpu.memory_space<semaphore_mem>>)
      %dma_wait3A = arith.constant 32 : i32
      %dma_wait3A_67 = arith.constant 0 : i32
      %dma_wait3A_68 = tpu.memref_slice %arg6[%dma_wait3A, %dma_wait3A_67] : memref<256x128xf32, #tpu.memory_space<vmem>> -> memref<32x128xf32, #tpu.memory_space<vmem>>
      %dma_wait3A_69 = arith.constant 0 : i32
      %dma_wait3A_70 = tpu.memref_slice %arg3[%add3A_33, %dma_wait3A_69] : memref<8192x128xf32, #tpu.memory_space<hbm>> -> memref<32x128xf32, #tpu.memory_space<hbm>>
      %dma_wait3A_71 = arith.constant 0 : i32
      %dma_wait3A_72 = tpu.memref_slice %arg3[%add3A_33, %dma_wait3A_71] : memref<8192x128xf32, #tpu.memory_space<hbm>> -> memref<32x128xf32, #tpu.memory_space<hbm>>
      %dma_wait3A_73 = arith.constant 32 : i32
      %dma_wait3A_74 = arith.constant 0 : i32
      %dma_wait3A_75 = tpu.memref_slice %arg6[%dma_wait3A_73, %dma_wait3A_74] : memref<256x128xf32, #tpu.memory_space<vmem>> -> memref<32x128xf32, #tpu.memory_space<vmem>>
      tpu.wait_dma2 semaphore(%run_scoped3A : memref<!tpu.dma_semaphore, #tpu.memory_space<semaphore_mem>>) src(%dma_wait3A_75 : memref<32x128xf32, #tpu.memory_space<vmem>>) dst(%dma_wait3A_72 : memref<32x128xf32, #tpu.memory_space<hbm>>)
      tpu.yield
    }) : () -> ()
    %mul3A_34 = arith.constant 32 : i32
    %mul3A_35 = arith.muli %add3A, %mul3A_34 : i32
    %add3A_36 = arith.constant 2048 : i32
    %add3A_37 = arith.addi %add3A_36, %mul3A_35 : i32
    "tpu.region"() ({
      %run_scoped3A = tpu.sem_alloc : memref<!tpu.dma_semaphore, #tpu.memory_space<semaphore_mem>>
      %dma_start3A = arith.constant 64 : i32
      %dma_start3A_58 = arith.constant 0 : i32
      %dma_start3A_59 = tpu.memref_slice %arg6[%dma_start3A, %dma_start3A_58] : memref<256x128xf32, #tpu.memory_space<vmem>> -> memref<32x128xf32, #tpu.memory_space<vmem>>
      %dma_start3A_60 = arith.constant 0 : i32
      %dma_start3A_61 = tpu.memref_slice %arg3[%add3A_37, %dma_start3A_60] : memref<8192x128xf32, #tpu.memory_space<hbm>> -> memref<32x128xf32, #tpu.memory_space<hbm>>
      %dma_start3A_62 = arith.constant 0 : i32
      %dma_start3A_63 = tpu.memref_slice %arg3[%add3A_37, %dma_start3A_62] : memref<8192x128xf32, #tpu.memory_space<hbm>> -> memref<32x128xf32, #tpu.memory_space<hbm>>
      %dma_start3A_64 = arith.constant 64 : i32
      %dma_start3A_65 = arith.constant 0 : i32
      %dma_start3A_66 = tpu.memref_slice %arg6[%dma_start3A_64, %dma_start3A_65] : memref<256x128xf32, #tpu.memory_space<vmem>> -> memref<32x128xf32, #tpu.memory_space<vmem>>
      tpu.enqueue_dma source(%dma_start3A_66 : memref<32x128xf32, #tpu.memory_space<vmem>>) target(%dma_start3A_63 : memref<32x128xf32, #tpu.memory_space<hbm>>) target_semaphore(%run_scoped3A : memref<!tpu.dma_semaphore, #tpu.memory_space<semaphore_mem>>)
      %dma_wait3A = arith.constant 64 : i32
      %dma_wait3A_67 = arith.constant 0 : i32
      %dma_wait3A_68 = tpu.memref_slice %arg6[%dma_wait3A, %dma_wait3A_67] : memref<256x128xf32, #tpu.memory_space<vmem>> -> memref<32x128xf32, #tpu.memory_space<vmem>>
      %dma_wait3A_69 = arith.constant 0 : i32
      %dma_wait3A_70 = tpu.memref_slice %arg3[%add3A_37, %dma_wait3A_69] : memref<8192x128xf32, #tpu.memory_space<hbm>> -> memref<32x128xf32, #tpu.memory_space<hbm>>
      %dma_wait3A_71 = arith.constant 0 : i32
      %dma_wait3A_72 = tpu.memref_slice %arg3[%add3A_37, %dma_wait3A_71] : memref<8192x128xf32, #tpu.memory_space<hbm>> -> memref<32x128xf32, #tpu.memory_space<hbm>>
      %dma_wait3A_73 = arith.constant 64 : i32
      %dma_wait3A_74 = arith.constant 0 : i32
      %dma_wait3A_75 = tpu.memref_slice %arg6[%dma_wait3A_73, %dma_wait3A_74] : memref<256x128xf32, #tpu.memory_space<vmem>> -> memref<32x128xf32, #tpu.memory_space<vmem>>
      tpu.wait_dma2 semaphore(%run_scoped3A : memref<!tpu.dma_semaphore, #tpu.memory_space<semaphore_mem>>) src(%dma_wait3A_75 : memref<32x128xf32, #tpu.memory_space<vmem>>) dst(%dma_wait3A_72 : memref<32x128xf32, #tpu.memory_space<hbm>>)
      tpu.yield
    }) : () -> ()
    %mul3A_38 = arith.constant 32 : i32
    %mul3A_39 = arith.muli %add3A, %mul3A_38 : i32
    %add3A_40 = arith.constant 3072 : i32
    %add3A_41 = arith.addi %add3A_40, %mul3A_39 : i32
    "tpu.region"() ({
      %run_scoped3A = tpu.sem_alloc : memref<!tpu.dma_semaphore, #tpu.memory_space<semaphore_mem>>
      %dma_start3A = arith.constant 96 : i32
      %dma_start3A_58 = arith.constant 0 : i32
      %dma_start3A_59 = tpu.memref_slice %arg6[%dma_start3A, %dma_start3A_58] : memref<256x128xf32, #tpu.memory_space<vmem>> -> memref<32x128xf32, #tpu.memory_space<vmem>>
      %dma_start3A_60 = arith.constant 0 : i32
      %dma_start3A_61 = tpu.memref_slice %arg3[%add3A_41, %dma_start3A_60] : memref<8192x128xf32, #tpu.memory_space<hbm>> -> memref<32x128xf32, #tpu.memory_space<hbm>>
      %dma_start3A_62 = arith.constant 0 : i32
      %dma_start3A_63 = tpu.memref_slice %arg3[%add3A_41, %dma_start3A_62] : memref<8192x128xf32, #tpu.memory_space<hbm>> -> memref<32x128xf32, #tpu.memory_space<hbm>>
      %dma_start3A_64 = arith.constant 96 : i32
      %dma_start3A_65 = arith.constant 0 : i32
      %dma_start3A_66 = tpu.memref_slice %arg6[%dma_start3A_64, %dma_start3A_65] : memref<256x128xf32, #tpu.memory_space<vmem>> -> memref<32x128xf32, #tpu.memory_space<vmem>>
      tpu.enqueue_dma source(%dma_start3A_66 : memref<32x128xf32, #tpu.memory_space<vmem>>) target(%dma_start3A_63 : memref<32x128xf32, #tpu.memory_space<hbm>>) target_semaphore(%run_scoped3A : memref<!tpu.dma_semaphore, #tpu.memory_space<semaphore_mem>>)
      %dma_wait3A = arith.constant 96 : i32
      %dma_wait3A_67 = arith.constant 0 : i32
      %dma_wait3A_68 = tpu.memref_slice %arg6[%dma_wait3A, %dma_wait3A_67] : memref<256x128xf32, #tpu.memory_space<vmem>> -> memref<32x128xf32, #tpu.memory_space<vmem>>
      %dma_wait3A_69 = arith.constant 0 : i32
      %dma_wait3A_70 = tpu.memref_slice %arg3[%add3A_41, %dma_wait3A_69] : memref<8192x128xf32, #tpu.memory_space<hbm>> -> memref<32x128xf32, #tpu.memory_space<hbm>>
      %dma_wait3A_71 = arith.constant 0 : i32
      %dma_wait3A_72 = tpu.memref_slice %arg3[%add3A_41, %dma_wait3A_71] : memref<8192x128xf32, #tpu.memory_space<hbm>> -> memref<32x128xf32, #tpu.memory_space<hbm>>
      %dma_wait3A_73 = arith.constant 96 : i32
      %dma_wait3A_74 = arith.constant 0 : i32
      %dma_wait3A_75 = tpu.memref_slice %arg6[%dma_wait3A_73, %dma_wait3A_74] : memref<256x128xf32, #tpu.memory_space<vmem>> -> memref<32x128xf32, #tpu.memory_space<vmem>>
      tpu.wait_dma2 semaphore(%run_scoped3A : memref<!tpu.dma_semaphore, #tpu.memory_space<semaphore_mem>>) src(%dma_wait3A_75 : memref<32x128xf32, #tpu.memory_space<vmem>>) dst(%dma_wait3A_72 : memref<32x128xf32, #tpu.memory_space<hbm>>)
      tpu.yield
    }) : () -> ()
    %mul3A_42 = arith.constant 32 : i32
    %mul3A_43 = arith.muli %add3A, %mul3A_42 : i32
    %add3A_44 = arith.constant 4096 : i32
    %add3A_45 = arith.addi %add3A_44, %mul3A_43 : i32
    "tpu.region"() ({
      %run_scoped3A = tpu.sem_alloc : memref<!tpu.dma_semaphore, #tpu.memory_space<semaphore_mem>>
      %dma_start3A = arith.constant 128 : i32
      %dma_start3A_58 = arith.constant 0 : i32
      %dma_start3A_59 = tpu.memref_slice %arg6[%dma_start3A, %dma_start3A_58] : memref<256x128xf32, #tpu.memory_space<vmem>> -> memref<32x128xf32, #tpu.memory_space<vmem>>
      %dma_start3A_60 = arith.constant 0 : i32
      %dma_start3A_61 = tpu.memref_slice %arg3[%add3A_45, %dma_start3A_60] : memref<8192x128xf32, #tpu.memory_space<hbm>> -> memref<32x128xf32, #tpu.memory_space<hbm>>
      %dma_start3A_62 = arith.constant 0 : i32
      %dma_start3A_63 = tpu.memref_slice %arg3[%add3A_45, %dma_start3A_62] : memref<8192x128xf32, #tpu.memory_space<hbm>> -> memref<32x128xf32, #tpu.memory_space<hbm>>
      %dma_start3A_64 = arith.constant 128 : i32
      %dma_start3A_65 = arith.constant 0 : i32
      %dma_start3A_66 = tpu.memref_slice %arg6[%dma_start3A_64, %dma_start3A_65] : memref<256x128xf32, #tpu.memory_space<vmem>> -> memref<32x128xf32, #tpu.memory_space<vmem>>
      tpu.enqueue_dma source(%dma_start3A_66 : memref<32x128xf32, #tpu.memory_space<vmem>>) target(%dma_start3A_63 : memref<32x128xf32, #tpu.memory_space<hbm>>) target_semaphore(%run_scoped3A : memref<!tpu.dma_semaphore, #tpu.memory_space<semaphore_mem>>)
      %dma_wait3A = arith.constant 128 : i32
      %dma_wait3A_67 = arith.constant 0 : i32
      %dma_wait3A_68 = tpu.memref_slice %arg6[%dma_wait3A, %dma_wait3A_67] : memref<256x128xf32, #tpu.memory_space<vmem>> -> memref<32x128xf32, #tpu.memory_space<vmem>>
      %dma_wait3A_69 = arith.constant 0 : i32
      %dma_wait3A_70 = tpu.memref_slice %arg3[%add3A_45, %dma_wait3A_69] : memref<8192x128xf32, #tpu.memory_space<hbm>> -> memref<32x128xf32, #tpu.memory_space<hbm>>
      %dma_wait3A_71 = arith.constant 0 : i32
      %dma_wait3A_72 = tpu.memref_slice %arg3[%add3A_45, %dma_wait3A_71] : memref<8192x128xf32, #tpu.memory_space<hbm>> -> memref<32x128xf32, #tpu.memory_space<hbm>>
      %dma_wait3A_73 = arith.constant 128 : i32
      %dma_wait3A_74 = arith.constant 0 : i32
      %dma_wait3A_75 = tpu.memref_slice %arg6[%dma_wait3A_73, %dma_wait3A_74] : memref<256x128xf32, #tpu.memory_space<vmem>> -> memref<32x128xf32, #tpu.memory_space<vmem>>
      tpu.wait_dma2 semaphore(%run_scoped3A : memref<!tpu.dma_semaphore, #tpu.memory_space<semaphore_mem>>) src(%dma_wait3A_75 : memref<32x128xf32, #tpu.memory_space<vmem>>) dst(%dma_wait3A_72 : memref<32x128xf32, #tpu.memory_space<hbm>>)
      tpu.yield
    }) : () -> ()
    %mul3A_46 = arith.constant 32 : i32
    %mul3A_47 = arith.muli %add3A, %mul3A_46 : i32
    %add3A_48 = arith.constant 5120 : i32
    %add3A_49 = arith.addi %add3A_48, %mul3A_47 : i32
    "tpu.region"() ({
      %run_scoped3A = tpu.sem_alloc : memref<!tpu.dma_semaphore, #tpu.memory_space<semaphore_mem>>
      %dma_start3A = arith.constant 160 : i32
      %dma_start3A_58 = arith.constant 0 : i32
      %dma_start3A_59 = tpu.memref_slice %arg6[%dma_start3A, %dma_start3A_58] : memref<256x128xf32, #tpu.memory_space<vmem>> -> memref<32x128xf32, #tpu.memory_space<vmem>>
      %dma_start3A_60 = arith.constant 0 : i32
      %dma_start3A_61 = tpu.memref_slice %arg3[%add3A_49, %dma_start3A_60] : memref<8192x128xf32, #tpu.memory_space<hbm>> -> memref<32x128xf32, #tpu.memory_space<hbm>>
      %dma_start3A_62 = arith.constant 0 : i32
      %dma_start3A_63 = tpu.memref_slice %arg3[%add3A_49, %dma_start3A_62] : memref<8192x128xf32, #tpu.memory_space<hbm>> -> memref<32x128xf32, #tpu.memory_space<hbm>>
      %dma_start3A_64 = arith.constant 160 : i32
      %dma_start3A_65 = arith.constant 0 : i32
      %dma_start3A_66 = tpu.memref_slice %arg6[%dma_start3A_64, %dma_start3A_65] : memref<256x128xf32, #tpu.memory_space<vmem>> -> memref<32x128xf32, #tpu.memory_space<vmem>>
      tpu.enqueue_dma source(%dma_start3A_66 : memref<32x128xf32, #tpu.memory_space<vmem>>) target(%dma_start3A_63 : memref<32x128xf32, #tpu.memory_space<hbm>>) target_semaphore(%run_scoped3A : memref<!tpu.dma_semaphore, #tpu.memory_space<semaphore_mem>>)
      %dma_wait3A = arith.constant 160 : i32
      %dma_wait3A_67 = arith.constant 0 : i32
      %dma_wait3A_68 = tpu.memref_slice %arg6[%dma_wait3A, %dma_wait3A_67] : memref<256x128xf32, #tpu.memory_space<vmem>> -> memref<32x128xf32, #tpu.memory_space<vmem>>
      %dma_wait3A_69 = arith.constant 0 : i32
      %dma_wait3A_70 = tpu.memref_slice %arg3[%add3A_49, %dma_wait3A_69] : memref<8192x128xf32, #tpu.memory_space<hbm>> -> memref<32x128xf32, #tpu.memory_space<hbm>>
      %dma_wait3A_71 = arith.constant 0 : i32
      %dma_wait3A_72 = tpu.memref_slice %arg3[%add3A_49, %dma_wait3A_71] : memref<8192x128xf32, #tpu.memory_space<hbm>> -> memref<32x128xf32, #tpu.memory_space<hbm>>
      %dma_wait3A_73 = arith.constant 160 : i32
      %dma_wait3A_74 = arith.constant 0 : i32
      %dma_wait3A_75 = tpu.memref_slice %arg6[%dma_wait3A_73, %dma_wait3A_74] : memref<256x128xf32, #tpu.memory_space<vmem>> -> memref<32x128xf32, #tpu.memory_space<vmem>>
      tpu.wait_dma2 semaphore(%run_scoped3A : memref<!tpu.dma_semaphore, #tpu.memory_space<semaphore_mem>>) src(%dma_wait3A_75 : memref<32x128xf32, #tpu.memory_space<vmem>>) dst(%dma_wait3A_72 : memref<32x128xf32, #tpu.memory_space<hbm>>)
      tpu.yield
    }) : () -> ()
    %mul3A_50 = arith.constant 32 : i32
    %mul3A_51 = arith.muli %add3A, %mul3A_50 : i32
    %add3A_52 = arith.constant 6144 : i32
    %add3A_53 = arith.addi %add3A_52, %mul3A_51 : i32
    "tpu.region"() ({
      %run_scoped3A = tpu.sem_alloc : memref<!tpu.dma_semaphore, #tpu.memory_space<semaphore_mem>>
      %dma_start3A = arith.constant 192 : i32
      %dma_start3A_58 = arith.constant 0 : i32
      %dma_start3A_59 = tpu.memref_slice %arg6[%dma_start3A, %dma_start3A_58] : memref<256x128xf32, #tpu.memory_space<vmem>> -> memref<32x128xf32, #tpu.memory_space<vmem>>
      %dma_start3A_60 = arith.constant 0 : i32
      %dma_start3A_61 = tpu.memref_slice %arg3[%add3A_53, %dma_start3A_60] : memref<8192x128xf32, #tpu.memory_space<hbm>> -> memref<32x128xf32, #tpu.memory_space<hbm>>
      %dma_start3A_62 = arith.constant 0 : i32
      %dma_start3A_63 = tpu.memref_slice %arg3[%add3A_53, %dma_start3A_62] : memref<8192x128xf32, #tpu.memory_space<hbm>> -> memref<32x128xf32, #tpu.memory_space<hbm>>
      %dma_start3A_64 = arith.constant 192 : i32
      %dma_start3A_65 = arith.constant 0 : i32
      %dma_start3A_66 = tpu.memref_slice %arg6[%dma_start3A_64, %dma_start3A_65] : memref<256x128xf32, #tpu.memory_space<vmem>> -> memref<32x128xf32, #tpu.memory_space<vmem>>
      tpu.enqueue_dma source(%dma_start3A_66 : memref<32x128xf32, #tpu.memory_space<vmem>>) target(%dma_start3A_63 : memref<32x128xf32, #tpu.memory_space<hbm>>) target_semaphore(%run_scoped3A : memref<!tpu.dma_semaphore, #tpu.memory_space<semaphore_mem>>)
      %dma_wait3A = arith.constant 192 : i32
      %dma_wait3A_67 = arith.constant 0 : i32
      %dma_wait3A_68 = tpu.memref_slice %arg6[%dma_wait3A, %dma_wait3A_67] : memref<256x128xf32, #tpu.memory_space<vmem>> -> memref<32x128xf32, #tpu.memory_space<vmem>>
      %dma_wait3A_69 = arith.constant 0 : i32
      %dma_wait3A_70 = tpu.memref_slice %arg3[%add3A_53, %dma_wait3A_69] : memref<8192x128xf32, #tpu.memory_space<hbm>> -> memref<32x128xf32, #tpu.memory_space<hbm>>
      %dma_wait3A_71 = arith.constant 0 : i32
      %dma_wait3A_72 = tpu.memref_slice %arg3[%add3A_53, %dma_wait3A_71] : memref<8192x128xf32, #tpu.memory_space<hbm>> -> memref<32x128xf32, #tpu.memory_space<hbm>>
      %dma_wait3A_73 = arith.constant 192 : i32
      %dma_wait3A_74 = arith.constant 0 : i32
      %dma_wait3A_75 = tpu.memref_slice %arg6[%dma_wait3A_73, %dma_wait3A_74] : memref<256x128xf32, #tpu.memory_space<vmem>> -> memref<32x128xf32, #tpu.memory_space<vmem>>
      tpu.wait_dma2 semaphore(%run_scoped3A : memref<!tpu.dma_semaphore, #tpu.memory_space<semaphore_mem>>) src(%dma_wait3A_75 : memref<32x128xf32, #tpu.memory_space<vmem>>) dst(%dma_wait3A_72 : memref<32x128xf32, #tpu.memory_space<hbm>>)
      tpu.yield
    }) : () -> ()
    %mul3A_54 = arith.constant 32 : i32
    %mul3A_55 = arith.muli %add3A, %mul3A_54 : i32
    %add3A_56 = arith.constant 7168 : i32
    %add3A_57 = arith.addi %add3A_56, %mul3A_55 : i32
    "tpu.region"() ({
      %run_scoped3A = tpu.sem_alloc : memref<!tpu.dma_semaphore, #tpu.memory_space<semaphore_mem>>
      %dma_start3A = arith.constant 224 : i32
      %dma_start3A_58 = arith.constant 0 : i32
      %dma_start3A_59 = tpu.memref_slice %arg6[%dma_start3A, %dma_start3A_58] : memref<256x128xf32, #tpu.memory_space<vmem>> -> memref<32x128xf32, #tpu.memory_space<vmem>>
      %dma_start3A_60 = arith.constant 0 : i32
      %dma_start3A_61 = tpu.memref_slice %arg3[%add3A_57, %dma_start3A_60] : memref<8192x128xf32, #tpu.memory_space<hbm>> -> memref<32x128xf32, #tpu.memory_space<hbm>>
      %dma_start3A_62 = arith.constant 0 : i32
      %dma_start3A_63 = tpu.memref_slice %arg3[%add3A_57, %dma_start3A_62] : memref<8192x128xf32, #tpu.memory_space<hbm>> -> memref<32x128xf32, #tpu.memory_space<hbm>>
      %dma_start3A_64 = arith.constant 224 : i32
      %dma_start3A_65 = arith.constant 0 : i32
      %dma_start3A_66 = tpu.memref_slice %arg6[%dma_start3A_64, %dma_start3A_65] : memref<256x128xf32, #tpu.memory_space<vmem>> -> memref<32x128xf32, #tpu.memory_space<vmem>>
      tpu.enqueue_dma source(%dma_start3A_66 : memref<32x128xf32, #tpu.memory_space<vmem>>) target(%dma_start3A_63 : memref<32x128xf32, #tpu.memory_space<hbm>>) target_semaphore(%run_scoped3A : memref<!tpu.dma_semaphore, #tpu.memory_space<semaphore_mem>>)
      %dma_wait3A = arith.constant 224 : i32
      %dma_wait3A_67 = arith.constant 0 : i32
      %dma_wait3A_68 = tpu.memref_slice %arg6[%dma_wait3A, %dma_wait3A_67] : memref<256x128xf32, #tpu.memory_space<vmem>> -> memref<32x128xf32, #tpu.memory_space<vmem>>
      %dma_wait3A_69 = arith.constant 0 : i32
      %dma_wait3A_70 = tpu.memref_slice %arg3[%add3A_57, %dma_wait3A_69] : memref<8192x128xf32, #tpu.memory_space<hbm>> -> memref<32x128xf32, #tpu.memory_space<hbm>>
      %dma_wait3A_71 = arith.constant 0 : i32
      %dma_wait3A_72 = tpu.memref_slice %arg3[%add3A_57, %dma_wait3A_71] : memref<8192x128xf32, #tpu.memory_space<hbm>> -> memref<32x128xf32, #tpu.memory_space<hbm>>
      %dma_wait3A_73 = arith.constant 224 : i32
      %dma_wait3A_74 = arith.constant 0 : i32
      %dma_wait3A_75 = tpu.memref_slice %arg6[%dma_wait3A_73, %dma_wait3A_74] : memref<256x128xf32, #tpu.memory_space<vmem>> -> memref<32x128xf32, #tpu.memory_space<vmem>>
      tpu.wait_dma2 semaphore(%run_scoped3A : memref<!tpu.dma_semaphore, #tpu.memory_space<semaphore_mem>>) src(%dma_wait3A_75 : memref<32x128xf32, #tpu.memory_space<vmem>>) dst(%dma_wait3A_72 : memref<32x128xf32, #tpu.memory_space<hbm>>)
      tpu.yield
    }) : () -> ()
    return
  }
}

module attributes {stable_mosaic.version = 14 : i64} {
  func.func @_tc_body(%arg0: i32, %arg1: memref<10x1000x128xf32, #tpu.memory_space<vmem>>, %arg2: memref<8192x128xf32, #tpu.memory_space<vmem>>, %arg3: memref<1000x640xf32, #tpu.memory_space<vmem>>, %arg4: memref<1000x640xf32, #tpu.memory_space<vmem>>, %arg5: memref<128x512xf32, #tpu.memory_space<vmem>>, %arg6: memref<128x512xf32, #tpu.memory_space<vmem>>, %arg7: memref<1x512xf32, #tpu.memory_space<vmem>>, %arg8: memref<128x128xf32, #tpu.memory_space<vmem>>, %arg9: memref<128x128xf32, #tpu.memory_space<vmem>>, %arg10: memref<128x1xf32, #tpu.memory_space<vmem>>, %arg11: memref<128x128xf32, #tpu.memory_space<vmem>>, %arg12: memref<1x128xf32, #tpu.memory_space<vmem>>, %arg13: memref<1000x128xf32, #tpu.memory_space<vmem>>, %arg14: memref<1000x1000xbf16, #tpu.memory_space<vmem>>, %arg15: memref<1000x128xbf16, #tpu.memory_space<vmem>>, %arg16: memref<1000x128xbf16, #tpu.memory_space<vmem>>, %arg17: memref<1000x128xf32, #tpu.memory_space<vmem>>) attributes {dimension_semantics = [#tpu.dimension_semantics<arbitrary>], iteration_bounds = array<i64: 25>, scalar_prefetch = 0 : i64, scratch_operands = 4 : i64, tpu.core_type = #tpu.core_type<tc>, window_params = [{pipeline_mode = #tpu.pipeline_mode<synchronous>, transform_indices = @transform_0, window_bounds = array<i64: 10, 1000, 128>}, {pipeline_mode = #tpu.pipeline_mode<synchronous>, transform_indices = @transform_1, window_bounds = array<i64: 8192, 128>}, {transform_indices = @transform_2, window_bounds = array<i64: 1000, 640>}, {transform_indices = @transform_3, window_bounds = array<i64: 1000, 640>}, {pipeline_mode = #tpu.pipeline_mode<synchronous>, transform_indices = @transform_4, window_bounds = array<i64: 128, 512>}, {pipeline_mode = #tpu.pipeline_mode<synchronous>, transform_indices = @transform_5, window_bounds = array<i64: 128, 512>}, {pipeline_mode = #tpu.pipeline_mode<synchronous>, transform_indices = @transform_6, window_bounds = array<i64: 1, 512>}, {pipeline_mode = #tpu.pipeline_mode<synchronous>, transform_indices = @transform_7, window_bounds = array<i64: 128, 128>}, {pipeline_mode = #tpu.pipeline_mode<synchronous>, transform_indices = @transform_8, window_bounds = array<i64: 128, 128>}, {pipeline_mode = #tpu.pipeline_mode<synchronous>, transform_indices = @transform_9, window_bounds = array<i64: 128, 1>}, {pipeline_mode = #tpu.pipeline_mode<synchronous>, transform_indices = @transform_10, window_bounds = array<i64: 128, 128>}, {pipeline_mode = #tpu.pipeline_mode<synchronous>, transform_indices = @transform_11, window_bounds = array<i64: 1, 128>}, {pipeline_mode = #tpu.pipeline_mode<synchronous>, transform_indices = @transform_12, window_bounds = array<i64: 1000, 128>}]} {
    %eq3A = arith.constant 0 : i32
    %eq3A_0 = arith.cmpi eq, %arg0, %eq3A : i32
    %convert_element_type3A = arith.extui %eq3A_0 : i1 to i32
    %cond3A = arith.constant 0 : i32
    %cond3A_1 = arith.cmpi ne, %convert_element_type3A, %cond3A : i32
    scf.if %cond3A_1 {
      %get3A_39 = arith.constant 0 : index
      %get3A_40 = arith.constant 0 : index
      %get3A_41 = vector.load %arg2[%get3A_39, %get3A_40] : memref<8192x128xf32, #tpu.memory_space<vmem>>, vector<1000x128xf32>
      %get3A_42 = arith.constant 1024 : index
      %get3A_43 = arith.constant 0 : index
      %get3A_44 = vector.load %arg2[%get3A_42, %get3A_43] : memref<8192x128xf32, #tpu.memory_space<vmem>>, vector<1000x128xf32>
      %get3A_45 = arith.constant 2048 : index
      %get3A_46 = arith.constant 0 : index
      %get3A_47 = vector.load %arg2[%get3A_45, %get3A_46] : memref<8192x128xf32, #tpu.memory_space<vmem>>, vector<1000x128xf32>
      %get3A_48 = arith.constant 3072 : index
      %get3A_49 = arith.constant 0 : index
      %get3A_50 = vector.load %arg2[%get3A_48, %get3A_49] : memref<8192x128xf32, #tpu.memory_space<vmem>>, vector<1000x128xf32>
      %get3A_51 = arith.constant 4096 : index
      %get3A_52 = arith.constant 0 : index
      %get3A_53 = vector.load %arg2[%get3A_51, %get3A_52] : memref<8192x128xf32, #tpu.memory_space<vmem>>, vector<1000x128xf32>
      %get3A_54 = arith.constant 5120 : index
      %get3A_55 = arith.constant 0 : index
      %get3A_56 = vector.load %arg2[%get3A_54, %get3A_55] : memref<8192x128xf32, #tpu.memory_space<vmem>>, vector<1000x128xf32>
      %get3A_57 = arith.constant 6144 : index
      %get3A_58 = arith.constant 0 : index
      %get3A_59 = vector.load %arg2[%get3A_57, %get3A_58] : memref<8192x128xf32, #tpu.memory_space<vmem>>, vector<1000x128xf32>
      %get3A_60 = arith.constant 7168 : index
      %get3A_61 = arith.constant 0 : index
      %get3A_62 = vector.load %arg2[%get3A_60, %get3A_61] : memref<8192x128xf32, #tpu.memory_space<vmem>>, vector<1000x128xf32>
      %concatenate3A = tpu.concatenate %get3A_41, %get3A_44, %get3A_47, %get3A_50, %get3A_53, %get3A_56, %get3A_59, %get3A_62 in 1 : vector<1000x128xf32>, vector<1000x128xf32>, vector<1000x128xf32>, vector<1000x128xf32>, vector<1000x128xf32>, vector<1000x128xf32>, vector<1000x128xf32>, vector<1000x128xf32> -> vector<1000x1024xf32>
      %slice3A = vector.extract_strided_slice %concatenate3A {offsets = [0, 0], sizes = [1000, 1000], strides = [1, 1]} : vector<1000x1024xf32> to vector<1000x1000xf32>
      %reduce_sum3A = arith.constant dense<0.000000e+00> : vector<1000xf32>
      %reduce_sum3A_63 = vector.multi_reduction <add>, %slice3A, %reduce_sum3A [1] : vector<1000x1000xf32> to vector<1000xf32>
      %rsqrt3A = math.rsqrt %reduce_sum3A_63 : vector<1000xf32>
      %broadcast_in_dim3A = vector.shape_cast %rsqrt3A : vector<1000xf32> to vector<1000x1xf32>
      %mul3A = vector.broadcast %broadcast_in_dim3A : vector<1000x1xf32> to vector<1000x1000xf32>
      %mul3A_64 = arith.mulf %slice3A, %mul3A : vector<1000x1000xf32>
      %broadcast_in_dim3A_65 = vector.shape_cast %rsqrt3A : vector<1000xf32> to vector<1x1000xf32>
      %mul3A_66 = vector.broadcast %broadcast_in_dim3A_65 : vector<1x1000xf32> to vector<1000x1000xf32>
      %mul3A_67 = arith.mulf %mul3A_64, %mul3A_66 : vector<1000x1000xf32>
      %convert_element_type3A_68 = arith.truncf %mul3A_67 : vector<1000x1000xf32> to vector<1000x1000xbf16>
      %swap3A_69 = arith.constant 0 : index
      %swap3A_70 = arith.constant 0 : index
      %swap3A_71 = vector.load %arg14[%swap3A_69, %swap3A_70] : memref<1000x1000xbf16, #tpu.memory_space<vmem>>, vector<1000x1000xbf16>
      tpu.vector_store %arg14[%swap3A_69, %swap3A_70], %convert_element_type3A_68 {strides = array<i32>} : memref<1000x1000xbf16, #tpu.memory_space<vmem>>, vector<1000x1000xbf16>,
      %get3A_72 = arith.constant 0 : index
      %get3A_73 = arith.constant 0 : index
      %get3A_74 = vector.load %arg5[%get3A_72, %get3A_73] : memref<128x512xf32, #tpu.memory_space<vmem>>, vector<128x512xf32>
      %convert_element_type3A_75 = arith.truncf %get3A_74 : vector<128x512xf32> to vector<128x512xbf16>
      %get3A_76 = arith.constant 0 : index
      %get3A_77 = arith.constant 0 : index
      %get3A_78 = vector.load %arg6[%get3A_76, %get3A_77] : memref<128x512xf32, #tpu.memory_space<vmem>>, vector<128x512xf32>
      %convert_element_type3A_79 = arith.truncf %get3A_78 : vector<128x512xf32> to vector<128x512xbf16>
      %broadcast_in_dim3A_80 = arith.constant 0.000000e+00 : f32
      %broadcast_in_dim3A_81 = vector.broadcast %broadcast_in_dim3A_80 : f32 to vector<1000x128xf32>
      %scan3A = arith.constant 0 : i32
      %scan3A_82 = arith.constant 10 : i32
      %scan3A_83 = arith.addi %scan3A, %scan3A_82 : i32
      %scan3A_84 = arith.constant 1 : i32
      %scan3A_85:2 = scf.for %scan3A_114 = %scan3A to %scan3A_83 step %scan3A_84 iter_args(%scan3A_115 = %broadcast_in_dim3A_81, %scan3A_116 = %broadcast_in_dim3A_81) -> (vector<1000x128xf32>, vector<1000x128xf32>)  : i32 {
        %get3A_117 = arith.index_cast %scan3A_114 : i32 to index
        %get3A_118 = arith.constant 0 : index
        %get3A_119 = arith.constant 0 : index
        %get3A_120 = vector.load %arg1[%get3A_117, %get3A_118, %get3A_119] : memref<10x1000x128xf32, #tpu.memory_space<vmem>>, vector<1x1000x128xf32>
        %get3A_121 = vector.shape_cast %get3A_120 : vector<1x1000x128xf32> to vector<1000x128xf32>
        %convert_element_type3A_122 = arith.truncf %get3A_121 : vector<1000x128xf32> to vector<1000x128xbf16>
        %dot_general3A_123 = arith.constant dense<0.000000e+00> : vector<1000x512xf32>
        %dot_general3A_124 = tpu.matmul %convert_element_type3A_122, %convert_element_type3A_75, %dot_general3A_123 {dimension_numbers = #tpu.dot_dimension_numbers<[1], [0], [0], [1], [0, 0, 1, 1], [], []>, transpose_lhs_hint = false} : vector<1000x128xbf16>, vector<128x512xbf16>, vector<1000x512xf32> -> vector<1000x512xf32>
        %convert_element_type3A_125 = arith.truncf %scan3A_115 : vector<1000x128xf32> to vector<1000x128xbf16>
        %dot_general3A_126 = arith.constant dense<0.000000e+00> : vector<1000x512xf32>
        %dot_general3A_127 = tpu.matmul %convert_element_type3A_125, %convert_element_type3A_79, %dot_general3A_126 {dimension_numbers = #tpu.dot_dimension_numbers<[1], [0], [0], [1], [0, 0, 1, 1], [], []>, transpose_lhs_hint = false} : vector<1000x128xbf16>, vector<128x512xbf16>, vector<1000x512xf32> -> vector<1000x512xf32>
        %add3A_128 = arith.addf %dot_general3A_124, %dot_general3A_127 : vector<1000x512xf32>
        %get3A_129 = arith.constant 0 : index
        %get3A_130 = arith.constant 0 : index
        %get3A_131 = vector.load %arg14[%get3A_129, %get3A_130] : memref<1000x1000xbf16, #tpu.memory_space<vmem>>, vector<1000x1000xbf16>
        %convert_element_type3A_132 = arith.truncf %add3A_128 : vector<1000x512xf32> to vector<1000x512xbf16>
        %dot_general3A_133 = arith.constant dense<0.000000e+00> : vector<1000x512xf32>
        %dot_general3A_134 = tpu.matmul %get3A_131, %convert_element_type3A_132, %dot_general3A_133 {dimension_numbers = #tpu.dot_dimension_numbers<[1], [0], [0], [1], [0, 0, 1, 1], [], []>, transpose_lhs_hint = false} : vector<1000x1000xbf16>, vector<1000x512xbf16>, vector<1000x512xf32> -> vector<1000x512xf32>
        %get3A_135 = arith.constant 0 : index
        %get3A_136 = arith.constant 0 : index
        %get3A_137 = vector.load %arg7[%get3A_135, %get3A_136] : memref<1x512xf32, #tpu.memory_space<vmem>>, vector<1x512xf32>
        %add3A_138 = vector.broadcast %get3A_137 : vector<1x512xf32> to vector<1000x512xf32>
        %add3A_139 = arith.addf %dot_general3A_134, %add3A_138 : vector<1000x512xf32>
        %slice3A_140 = vector.extract_strided_slice %add3A_139 {offsets = [0, 0], sizes = [1000, 128], strides = [1, 1]} : vector<1000x512xf32> to vector<1000x128xf32>
        %logistic3A = arith.negf %slice3A_140 : vector<1000x128xf32>
        %logistic3A_141 = math.exp %logistic3A : vector<1000x128xf32>
        %logistic3A_142 = arith.constant 1.000000e+00 : f32
        %logistic3A_143 = vector.broadcast %logistic3A_142 : f32 to vector<1000x128xf32>
        %logistic3A_144 = arith.addf %logistic3A_143, %logistic3A_141 : vector<1000x128xf32>
        %logistic3A_145 = arith.divf %logistic3A_143, %logistic3A_144 : vector<1000x128xf32>
        %slice3A_146 = vector.extract_strided_slice %add3A_139 {offsets = [0, 128], sizes = [1000, 128], strides = [1, 1]} : vector<1000x512xf32> to vector<1000x128xf32>
        %logistic3A_147 = arith.negf %slice3A_146 : vector<1000x128xf32>
        %logistic3A_148 = math.exp %logistic3A_147 : vector<1000x128xf32>
        %logistic3A_149 = arith.constant 1.000000e+00 : f32
        %logistic3A_150 = vector.broadcast %logistic3A_149 : f32 to vector<1000x128xf32>
        %logistic3A_151 = arith.addf %logistic3A_150, %logistic3A_148 : vector<1000x128xf32>
        %logistic3A_152 = arith.divf %logistic3A_150, %logistic3A_151 : vector<1000x128xf32>
        %slice3A_153 = vector.extract_strided_slice %add3A_139 {offsets = [0, 256], sizes = [1000, 128], strides = [1, 1]} : vector<1000x512xf32> to vector<1000x128xf32>
        %logistic3A_154 = arith.negf %slice3A_153 : vector<1000x128xf32>
        %logistic3A_155 = math.exp %logistic3A_154 : vector<1000x128xf32>
        %logistic3A_156 = arith.constant 1.000000e+00 : f32
        %logistic3A_157 = vector.broadcast %logistic3A_156 : f32 to vector<1000x128xf32>
        %logistic3A_158 = arith.addf %logistic3A_157, %logistic3A_155 : vector<1000x128xf32>
        %logistic3A_159 = arith.divf %logistic3A_157, %logistic3A_158 : vector<1000x128xf32>
        %slice3A_160 = vector.extract_strided_slice %add3A_139 {offsets = [0, 384], sizes = [1000, 128], strides = [1, 1]} : vector<1000x512xf32> to vector<1000x128xf32>
        %tanh3A = math.tanh %slice3A_160 : vector<1000x128xf32>
        %mul3A_161 = arith.mulf %logistic3A_152, %scan3A_116 : vector<1000x128xf32>
        %mul3A_162 = arith.mulf %logistic3A_145, %tanh3A : vector<1000x128xf32>
        %add3A_163 = arith.addf %mul3A_161, %mul3A_162 : vector<1000x128xf32>
        %tanh3A_164 = math.tanh %add3A_163 : vector<1000x128xf32>
        %mul3A_165 = arith.mulf %logistic3A_159, %tanh3A_164 : vector<1000x128xf32>
        scf.yield %mul3A_165, %add3A_163 : vector<1000x128xf32>, vector<1000x128xf32>
      }
      %scan3A_86 = arith.constant 10 : i32
      %get3A_87 = arith.constant 0 : index
      %get3A_88 = arith.constant 0 : index
      %get3A_89 = vector.load %arg8[%get3A_87, %get3A_88] : memref<128x128xf32, #tpu.memory_space<vmem>>, vector<128x128xf32>
      %convert_element_type3A_90 = arith.truncf %scan3A_85#0 : vector<1000x128xf32> to vector<1000x128xbf16>
      %convert_element_type3A_91 = arith.truncf %get3A_89 : vector<128x128xf32> to vector<128x128xbf16>
      %dot_general3A_92 = arith.constant dense<0.000000e+00> : vector<1000x128xf32>
      %dot_general3A_93 = tpu.matmul %convert_element_type3A_90, %convert_element_type3A_91, %dot_general3A_92 {dimension_numbers = #tpu.dot_dimension_numbers<[1], [0], [0], [1], [0, 0, 1, 1], [], []>, transpose_lhs_hint = false} : vector<1000x128xbf16>, vector<128x128xbf16>, vector<1000x128xf32> -> vector<1000x128xf32>
      %convert_element_type3A_94 = arith.truncf %dot_general3A_93 : vector<1000x128xf32> to vector<1000x128xbf16>
      %swap3A_95 = arith.constant 0 : index
      %swap3A_96 = arith.constant 0 : index
      %swap3A_97 = vector.load %arg15[%swap3A_95, %swap3A_96] : memref<1000x128xbf16, #tpu.memory_space<vmem>>, vector<1000x128xbf16>
      tpu.vector_store %arg15[%swap3A_95, %swap3A_96], %convert_element_type3A_94 {strides = array<i32>} : memref<1000x128xbf16, #tpu.memory_space<vmem>>, vector<1000x128xbf16>,
      %get3A_98 = arith.constant 0 : index
      %get3A_99 = arith.constant 0 : index
      %get3A_100 = vector.load %arg9[%get3A_98, %get3A_99] : memref<128x128xf32, #tpu.memory_space<vmem>>, vector<128x128xf32>
      %convert_element_type3A_101 = arith.truncf %scan3A_85#0 : vector<1000x128xf32> to vector<1000x128xbf16>
      %convert_element_type3A_102 = arith.truncf %get3A_100 : vector<128x128xf32> to vector<128x128xbf16>
      %dot_general3A_103 = arith.constant dense<0.000000e+00> : vector<1000x128xf32>
      %dot_general3A_104 = tpu.matmul %convert_element_type3A_101, %convert_element_type3A_102, %dot_general3A_103 {dimension_numbers = #tpu.dot_dimension_numbers<[1], [0], [0], [1], [0, 0, 1, 1], [], []>, transpose_lhs_hint = false} : vector<1000x128xbf16>, vector<128x128xbf16>, vector<1000x128xf32> -> vector<1000x128xf32>
      %convert_element_type3A_105 = arith.truncf %dot_general3A_104 : vector<1000x128xf32> to vector<1000x128xbf16>
      %swap3A_106 = arith.constant 0 : index
      %swap3A_107 = arith.constant 0 : index
      %swap3A_108 = vector.load %arg16[%swap3A_106, %swap3A_107] : memref<1000x128xbf16, #tpu.memory_space<vmem>>, vector<1000x128xbf16>
      tpu.vector_store %arg16[%swap3A_106, %swap3A_107], %convert_element_type3A_105 {strides = array<i32>} : memref<1000x128xbf16, #tpu.memory_space<vmem>>, vector<1000x128xbf16>,
      %broadcast_in_dim3A_109 = arith.constant 0.000000e+00 : f32
      %broadcast_in_dim3A_110 = vector.broadcast %broadcast_in_dim3A_109 : f32 to vector<1000x128xf32>
      %swap3A_111 = arith.constant 0 : index
      %swap3A_112 = arith.constant 0 : index
      %swap3A_113 = vector.load %arg17[%swap3A_111, %swap3A_112] : memref<1000x128xf32, #tpu.memory_space<vmem>>, vector<1000x128xf32>
      tpu.vector_store %arg17[%swap3A_111, %swap3A_112], %broadcast_in_dim3A_110 {strides = array<i32>} : memref<1000x128xf32, #tpu.memory_space<vmem>>, vector<1000x128xf32>,
    } else {
    }
    %get3A = arith.constant 0 : index
    %get3A_2 = arith.constant 0 : index
    %get3A_3 = vector.load %arg3[%get3A, %get3A_2] : memref<1000x640xf32, #tpu.memory_space<vmem>>, vector<1000x640xf32>
    %convert_element_type3A_4 = arith.truncf %get3A_3 : vector<1000x640xf32> to vector<1000x640xbf16>
    %get3A_5 = arith.constant 0 : index
    %get3A_6 = arith.constant 0 : index
    %get3A_7 = vector.load %arg4[%get3A_5, %get3A_6] : memref<1000x640xf32, #tpu.memory_space<vmem>>, vector<1000x640xf32>
    %convert_element_type3A_8 = arith.truncf %get3A_7 : vector<1000x640xf32> to vector<1000x640xbf16>
    %get3A_9 = arith.constant 0 : index
    %get3A_10 = arith.constant 0 : index
    %get3A_11 = vector.load %arg15[%get3A_9, %get3A_10] : memref<1000x128xbf16, #tpu.memory_space<vmem>>, vector<1000x128xbf16>
    %dot_general3A = arith.constant dense<0.000000e+00> : vector<128x640xf32>
    %dot_general3A_12 = tpu.matmul %get3A_11, %convert_element_type3A_4, %dot_general3A {dimension_numbers = #tpu.dot_dimension_numbers<[0], [0], [1], [1], [0, 1, 1, 1], [], []>, transpose_lhs_hint = false} : vector<1000x128xbf16>, vector<1000x640xbf16>, vector<128x640xf32> -> vector<128x640xf32>
    %get3A_13 = arith.constant 0 : index
    %get3A_14 = arith.constant 0 : index
    %get3A_15 = vector.load %arg16[%get3A_13, %get3A_14] : memref<1000x128xbf16, #tpu.memory_space<vmem>>, vector<1000x128xbf16>
    %dot_general3A_16 = arith.constant dense<0.000000e+00> : vector<128x640xf32>
    %dot_general3A_17 = tpu.matmul %get3A_15, %convert_element_type3A_8, %dot_general3A_16 {dimension_numbers = #tpu.dot_dimension_numbers<[0], [0], [1], [1], [0, 1, 1, 1], [], []>, transpose_lhs_hint = false} : vector<1000x128xbf16>, vector<1000x640xbf16>, vector<128x640xf32> -> vector<128x640xf32>
    %add3A = arith.addf %dot_general3A_12, %dot_general3A_17 : vector<128x640xf32>
    %get3A_18 = arith.constant 0 : index
    %get3A_19 = arith.constant 0 : index
    %get3A_20 = vector.load %arg10[%get3A_18, %get3A_19] : memref<128x1xf32, #tpu.memory_space<vmem>>, vector<128x1xf32>
    %add3A_21 = vector.broadcast %get3A_20 : vector<128x1xf32> to vector<128x640xf32>
    %add3A_22 = arith.addf %add3A, %add3A_21 : vector<128x640xf32>
    %max3A = arith.constant 0.000000e+00 : f32
    %max3A_23 = vector.broadcast %max3A : f32 to vector<128x640xf32>
    %max3A_24 = arith.maximumf %add3A_22, %max3A_23 : vector<128x640xf32>
    %get3A_25 = arith.constant 0 : index
    %get3A_26 = arith.constant 0 : index
    %get3A_27 = vector.load %arg17[%get3A_25, %get3A_26] : memref<1000x128xf32, #tpu.memory_space<vmem>>, vector<1000x128xf32>
    %convert_element_type3A_28 = arith.truncf %max3A_24 : vector<128x640xf32> to vector<128x640xbf16>
    %dot_general3A_29 = arith.constant dense<0.000000e+00> : vector<1000x128xf32>
    %dot_general3A_30 = tpu.matmul %convert_element_type3A_4, %convert_element_type3A_28, %dot_general3A_29 {dimension_numbers = #tpu.dot_dimension_numbers<[1], [1], [0], [0], [0, 0, 1, 0], [], []>, transpose_lhs_hint = false} : vector<1000x640xbf16>, vector<128x640xbf16>, vector<1000x128xf32> -> vector<1000x128xf32>
    %add3A_31 = arith.addf %get3A_27, %dot_general3A_30 : vector<1000x128xf32>
    %swap3A = arith.constant 0 : index
    %swap3A_32 = arith.constant 0 : index
    %swap3A_33 = vector.load %arg17[%swap3A, %swap3A_32] : memref<1000x128xf32, #tpu.memory_space<vmem>>, vector<1000x128xf32>
    tpu.vector_store %arg17[%swap3A, %swap3A_32], %add3A_31 {strides = array<i32>} : memref<1000x128xf32, #tpu.memory_space<vmem>>, vector<1000x128xf32>,
    %eq3A_34 = arith.constant 24 : i32
    %eq3A_35 = arith.cmpi eq, %arg0, %eq3A_34 : i32
    %convert_element_type3A_36 = arith.extui %eq3A_35 : i1 to i32
    %cond3A_37 = arith.constant 0 : i32
    %cond3A_38 = arith.cmpi ne, %convert_element_type3A_36, %cond3A_37 : i32
    scf.if %cond3A_38 {
      %get3A_39 = arith.constant 0 : index
      %get3A_40 = arith.constant 0 : index
      %get3A_41 = vector.load %arg17[%get3A_39, %get3A_40] : memref<1000x128xf32, #tpu.memory_space<vmem>>, vector<1000x128xf32>
      %mul3A = arith.constant 1.000000e-03 : f32
      %mul3A_42 = vector.broadcast %mul3A : f32 to vector<1000x128xf32>
      %mul3A_43 = arith.mulf %get3A_41, %mul3A_42 : vector<1000x128xf32>
      %get3A_44 = arith.constant 0 : index
      %get3A_45 = arith.constant 0 : index
      %get3A_46 = vector.load %arg11[%get3A_44, %get3A_45] : memref<128x128xf32, #tpu.memory_space<vmem>>, vector<128x128xf32>
      %convert_element_type3A_47 = arith.truncf %mul3A_43 : vector<1000x128xf32> to vector<1000x128xbf16>
      %convert_element_type3A_48 = arith.truncf %get3A_46 : vector<128x128xf32> to vector<128x128xbf16>
      %dot_general3A_49 = arith.constant dense<0.000000e+00> : vector<1000x128xf32>
      %dot_general3A_50 = tpu.matmul %convert_element_type3A_47, %convert_element_type3A_48, %dot_general3A_49 {dimension_numbers = #tpu.dot_dimension_numbers<[1], [0], [0], [1], [0, 0, 1, 1], [], []>, transpose_lhs_hint = false} : vector<1000x128xbf16>, vector<128x128xbf16>, vector<1000x128xf32> -> vector<1000x128xf32>
      %get3A_51 = arith.constant 0 : index
      %get3A_52 = arith.constant 0 : index
      %get3A_53 = vector.load %arg14[%get3A_51, %get3A_52] : memref<1000x1000xbf16, #tpu.memory_space<vmem>>, vector<1000x1000xbf16>
      %convert_element_type3A_54 = arith.truncf %dot_general3A_50 : vector<1000x128xf32> to vector<1000x128xbf16>
      %dot_general3A_55 = arith.constant dense<0.000000e+00> : vector<1000x128xf32>
      %dot_general3A_56 = tpu.matmul %get3A_53, %convert_element_type3A_54, %dot_general3A_55 {dimension_numbers = #tpu.dot_dimension_numbers<[1], [0], [0], [1], [0, 0, 1, 1], [], []>, transpose_lhs_hint = false} : vector<1000x1000xbf16>, vector<1000x128xbf16>, vector<1000x128xf32> -> vector<1000x128xf32>
      %get3A_57 = arith.constant 0 : index
      %get3A_58 = arith.constant 0 : index
      %get3A_59 = vector.load %arg12[%get3A_57, %get3A_58] : memref<1x128xf32, #tpu.memory_space<vmem>>, vector<1x128xf32>
      %add3A_60 = vector.broadcast %get3A_59 : vector<1x128xf32> to vector<1000x128xf32>
      %add3A_61 = arith.addf %dot_general3A_56, %add3A_60 : vector<1000x128xf32>
      %swap3A_62 = arith.constant 0 : index
      %swap3A_63 = arith.constant 0 : index
      %swap3A_64 = vector.load %arg13[%swap3A_62, %swap3A_63] : memref<1000x128xf32, #tpu.memory_space<vmem>>, vector<1000x128xf32>
      tpu.vector_store %arg13[%swap3A_62, %swap3A_63], %add3A_61 {strides = array<i32>} : memref<1000x128xf32, #tpu.memory_space<vmem>>, vector<1000x128xf32>,
    } else {
    }
    return
  }
  func.func @transform_0(%arg0: i32) -> (i32, i32, i32) {
    %c0_i32 = arith.constant 0 : i32
    %c0_i32_0 = arith.constant 0 : i32
    %c0_i32_1 = arith.constant 0 : i32
    %c0_i32_2 = arith.constant 0 : i32
    return %c0_i32, %c0_i32_0, %c0_i32_1 : i32, i32, i32
  }
  func.func @transform_1(%arg0: i32) -> (i32, i32) {
    %c0_i32 = arith.constant 0 : i32
    %c0_i32_0 = arith.constant 0 : i32
    %c0_i32_1 = arith.constant 0 : i32
    return %c0_i32, %c0_i32_0 : i32, i32
  }
  func.func @transform_2(%arg0: i32) -> (i32, i32) {
    %c0_i32 = arith.constant 0 : i32
    %c0_i32_0 = arith.constant 0 : i32
    return %c0_i32, %arg0 : i32, i32
  }
  func.func @transform_3(%arg0: i32) -> (i32, i32) {
    %c0_i32 = arith.constant 0 : i32
    %c0_i32_0 = arith.constant 0 : i32
    return %c0_i32, %arg0 : i32, i32
  }
  func.func @transform_4(%arg0: i32) -> (i32, i32) {
    %c0_i32 = arith.constant 0 : i32
    %c0_i32_0 = arith.constant 0 : i32
    %c0_i32_1 = arith.constant 0 : i32
    return %c0_i32, %c0_i32_0 : i32, i32
  }
  func.func @transform_5(%arg0: i32) -> (i32, i32) {
    %c0_i32 = arith.constant 0 : i32
    %c0_i32_0 = arith.constant 0 : i32
    %c0_i32_1 = arith.constant 0 : i32
    return %c0_i32, %c0_i32_0 : i32, i32
  }
  func.func @transform_6(%arg0: i32) -> (i32, i32) {
    %c0_i32 = arith.constant 0 : i32
    %c0_i32_0 = arith.constant 0 : i32
    %c0_i32_1 = arith.constant 0 : i32
    return %c0_i32, %c0_i32_0 : i32, i32
  }
  func.func @transform_7(%arg0: i32) -> (i32, i32) {
    %c0_i32 = arith.constant 0 : i32
    %c0_i32_0 = arith.constant 0 : i32
    %c0_i32_1 = arith.constant 0 : i32
    return %c0_i32, %c0_i32_0 : i32, i32
  }
  func.func @transform_8(%arg0: i32) -> (i32, i32) {
    %c0_i32 = arith.constant 0 : i32
    %c0_i32_0 = arith.constant 0 : i32
    %c0_i32_1 = arith.constant 0 : i32
    return %c0_i32, %c0_i32_0 : i32, i32
  }
  func.func @transform_9(%arg0: i32) -> (i32, i32) {
    %c0_i32 = arith.constant 0 : i32
    %c0_i32_0 = arith.constant 0 : i32
    %c0_i32_1 = arith.constant 0 : i32
    return %c0_i32, %c0_i32_0 : i32, i32
  }
  func.func @transform_10(%arg0: i32) -> (i32, i32) {
    %c0_i32 = arith.constant 0 : i32
    %c0_i32_0 = arith.constant 0 : i32
    %c0_i32_1 = arith.constant 0 : i32
    return %c0_i32, %c0_i32_0 : i32, i32
  }
  func.func @transform_11(%arg0: i32) -> (i32, i32) {
    %c0_i32 = arith.constant 0 : i32
    %c0_i32_0 = arith.constant 0 : i32
    %c0_i32_1 = arith.constant 0 : i32
    return %c0_i32, %c0_i32_0 : i32, i32
  }
  func.func @transform_12(%arg0: i32) -> (i32, i32) {
    %c0_i32 = arith.constant 0 : i32
    %c0_i32_0 = arith.constant 0 : i32
    %c0_i32_1 = arith.constant 0 : i32
    return %c0_i32, %c0_i32_0 : i32, i32
  }
}

</mosaic_0001>

<sc_bundles>
// kernel: kernel.4.cloned.1.call-start
scs
__scs_entry_jumppad:
0x0: {  	(pc) =	sbr.rel $0x88, $3  }
0x1: {  	(tag) =	ssettag $0x0;
	lr =	simm.s32 $0x1  }
0x2: {  	[smem:$0x3F91] =	sst lr;
	_ =	strace $0xD0000000  }
0x3: {  	_ = 	snop  }
0x4: {  	_ = 	snop  }
0x5: {  	_ = 	snop  }
0x6: {  	_ = 	snop  }
0x7: {  	_ = 	snop  }
__scs_overlays_trampoline_lowered:
0x8: {  	[smem:$0x3FA0] =	sst s0  }
0x9: {  	[smem:$0x3FA1] =	sst s1  }
0xa: {  	[smem:$0x3FA2] =	sst s2  }
0xb: {  	[smem:$0x3FA3] =	sst s3  }
0xc: {  	[smem:$0x3FA4] =	sst s4  }
0xd: {  	[smem:$0x3FA5] =	sst s5  }
0xe: {  	[smem:$0x3FA6] =	sst s6  }
0xf: {  	[smem:$0x3FA7] =	sst s7  }
0x10: {  	[smem:$0x3FA8] =	sst s8  }
0x11: {  	[smem:$0x3FA9] =	sst s9;
	s0 =	simm.s32 @!p0 $0x0  }
0x12: {  	s1 =	sld [smem:$0x3F8F];
	s0 =	simm.s32 @p0 $0x1  }
0x13: {  	[smem:$0x3FAA] =	sst s0;
	s0 =	simm.s32 @!p1 $0x0  }
0x14: {  	s2 =	sld [smem:$0x3F8E];
	s0 =	simm.s32 @p1 $0x1  }
0x15: {  	[smem:$0x3FAB] =	sst s0;
	s0 =	simm.s32 @!p2 $0x0  }
0x16: {  	s3 =	sld [smem:$0x3FDB];
	s0 =	simm.s32 @p2 $0x1  }
0x17: {  	s4 =	simm.s32 $0x1BF5;
	[smem:$0x3FAD] =	sst s0  }
0x18: {  	s0 =	sld [smem:$0x3F90];
	_ =	swait.ge [sflag:s4], $0x0  }
0x19: {  	s7 =	sld [smem:$0x3F91]  }
0x1a: {  	s8 =	sadd.s32 $0xFFFFE003, lr  }
0x1b: {  	s9 =	sadd.s32 $0xFFFFFEF7, lr;
	s5 =	simm.s32 $0xFFFFFFFF;
	p2 =	slt.u32 s8, $0xFFFFF086  }
0x1c: {  	p1 =	slt.u32 s9, $0xF7A;
	s5 =	simm.s32 @!p2 $0x0  }
0x1d: {  	s5 =	simm.s32 @p1 $0x1;
	p0 =	seq.s32 s7, s2  }
0x1e: {  	s7 =	smul.u32 @!p0 $0xF7A, s2;
	p2 =	seq.s32 @!p0 s5, $0x0  }
0x1f: {  	s9 =	smul.u32 $0xF7A, s1;
	s8 =	simm.s32 @!p0 $0x1BF5;
	p2 =	por !p2, p0  }
0x20: {  	[sflag:s8] =	ssyncset.s32 @!p0 $0xFFFFF086;
	s6 =	sadd.s32 @!p0 s3, s7;
	s7 =	simm.s32 @!p0 $0x108  }
0x21: {  	s3 =	sadd.s32 s3, s9;
	s6 =	sadd.s32 @!p0 $0x88, s6;
	s7 =	simm.s32 @p2 $0x1082  }
0x22: {  	[simem:s7], [sflag:s8] =	dma.local @!p0 [hbm:s6], $0xF7A  }
0x23: {  	s9 =	sor.u32 $0xD0000000, s2;
	s6 =	simm.s32 $0x108;
	_ =	swait.ge @!p0 [sflag:s8], $0x0  }
0x24: {  	s3 =	sadd.s32 $0x88, s3;
	s6 =	simm.s32 @!p1 $0x1082;
	[sflag:s4] =	ssyncset.s32 $0xFFFFF086  }
0x25: {  	[simem:s6], [sflag:s4] =	dma.local [hbm:s3], $0xF7A  }
0x26: {  	[smem:$0x3F91] =	sst s1;
	(tag) =	ssettag s2;
	_ =	strace s9  }
0x27: {  	s1 =	sld [smem:$0x3FA1]  }
0x28: {  	s2 =	sld [smem:$0x3FA2]  }
0x29: {  	s4 =	sld [smem:$0x3FA4]  }
0x2a: {  	p0 =	seq.s32 s5, $0x0;
	s5 =	sld [smem:$0x3FA5]  }
0x2b: {  	s6 =	sld [smem:$0x3FA6]  }
0x2c: {  	s7 =	sld [smem:$0x3FA7]  }
0x2d: {  	s3 =	simm.s32 $0x108;
	s8 =	sld [smem:$0x3FA8]  }
0x2e: {  	s3 =	simm.s32 @!p0 $0x1082;
	s9 =	sld [smem:$0x3FA9]  }
0x2f: {  	lr =	sadd.s32 s0, s3;
	s0 =	sld [smem:$0x3FA0]  }
0x30: {  	s3 =	sld [smem:$0x3FA3]  }
0x31: {  	[smem:$0x3FAC] =	sst s10  }
0x32: {  	s10 =	sld [smem:$0x3FAA];
	_ =	sdelay $0x3  }
0x33: {  	p0 =	seq.s32 s10, $0x1;
	s10 =	sld [smem:$0x3FAC];
	_ =	sdelay $0x3  }
0x34: {  	[smem:$0x3FAC] =	sst s10  }
0x35: {  	s10 =	sld [smem:$0x3FAB];
	_ =	sdelay $0x3  }
0x36: {  	p1 =	seq.s32 s10, $0x1;
	s10 =	sld [smem:$0x3FAC];
	_ =	sdelay $0x3  }
0x37: {  	[smem:$0x3FAC] =	sst s10  }
0x38: {  	s10 =	sld [smem:$0x3FAD]  }
0x39: {  	_ = 	snop;
	(pc) =	sbr.ind lr, $3  }
0x3a: {  	_ = 	snop  }
0x3b: {  	_ = 	snop  }
0x3c: {  	p2 =	seq.s32 s10, $0x1;
	s10 =	sld [smem:$0x3FAC]  }
0x3d: {  	_ =	shalt  }
0x3e: {  	_ =	shalt  }
0x3f: {  	_ =	shalt  }
0x40: {  	_ =	shalt  }
0x41: {  	_ =	shalt  }
0x42: {  	_ =	shalt  }
0x43: {  	_ =	shalt  }
0x44: {  	_ =	shalt  }
0x45: {  	_ =	shalt  }
0x46: {  	_ =	shalt  }
0x47: {  	_ =	shalt  }
0x48: {  	_ =	shalt  }
0x49: {  	_ =	shalt  }
0x4a: {  	_ =	shalt  }
0x4b: {  	_ =	shalt  }
0x4c: {  	_ =	shalt  }
0x4d: {  	_ =	shalt  }
0x4e: {  	_ =	shalt  }
0x4f: {  	_ =	shalt  }
0x50: {  	_ =	shalt  }
0x51: {  	_ =	shalt  }
0x52: {  	_ =	shalt  }
0x53: {  	_ =	shalt  }
0x54: {  	_ =	shalt  }
0x55: {  	_ =	shalt  }
0x56: {  	_ =	shalt  }
0x57: {  	_ =	shalt  }
0x58: {  	_ =	shalt  }
0x59: {  	_ =	shalt  }
0x5a: {  	_ =	shalt  }
0x5b: {  	_ =	shalt  }
0x5c: {  	_ =	shalt  }
0x5d: {  	_ =	shalt  }
0x5e: {  	_ =	shalt  }
0x5f: {  	_ =	shalt  }
0x60: {  	_ =	shalt  }
0x61: {  	_ =	shalt  }
0x62: {  	_ =	shalt  }
0x63: {  	_ =	shalt  }
0x64: {  	_ =	shalt  }
0x65: {  	_ =	shalt  }
0x66: {  	_ =	shalt  }
0x67: {  	_ =	shalt  }
0x68: {  	_ =	shalt  }
0x69: {  	_ =	shalt  }
0x6a: {  	_ =	shalt  }
0x6b: {  	_ =	shalt  }
0x6c: {  	_ =	shalt  }
0x6d: {  	_ =	shalt  }
0x6e: {  	_ =	shalt  }
0x6f: {  	_ =	shalt  }
0x70: {  	_ =	shalt  }
0x71: {  	_ =	shalt  }
0x72: {  	_ =	shalt  }
0x73: {  	_ =	shalt  }
0x74: {  	_ =	shalt  }
0x75: {  	_ =	shalt  }
0x76: {  	_ =	shalt  }
0x77: {  	_ =	shalt  }
0x78: {  	_ =	shalt  }
0x79: {  	_ =	shalt  }
0x7a: {  	_ =	shalt  }
0x7b: {  	_ =	shalt  }
0x7c: {  	_ =	shalt  }
0x7d: {  	_ =	shalt  }
0x7e: {  	_ =	shalt  }
0x7f: {  	_ =	shalt  }
0x80: {  	_ =	shalt  }
0x81: {  	_ =	shalt  }
0x82: {  	_ =	shalt  }
0x83: {  	_ =	shalt  }
0x84: {  	_ =	shalt  }
0x85: {  	_ =	shalt  }
0x86: {  	_ =	shalt  }
0x87: {  	_ =	shalt  }
.Lfunc_end0:
.L_simem_size_0:
called_computation_lowered:
.L_overlay_start_0:
0x88: {  	s2 =	sld [smem:$0x3FD9]  }
0x89: {  	s3 =	sld [smem:$0x3FFE];
	_ =	sdelay $0x1  }
0x8a: {  	s1 =	srdreg.scid  }
0x8b: {  	s0 =	sand.u32 $0x1, s1  }
0x8c: {  	s17 =	sshll.u32 s0, $0xA;
	s2 =	sadd.s32 s3, s2  }
0x8d: {  	s2 =	sadd.s32 s2, s17  }
0x8e: {  	[smem:$0x3FB8] =	sst s2  }
0x8f: {  	_ = 	snop  }
0x90: {  	s2 =	sld [smem:$0x3FD0];
	(tm) =	ssettm $0x1  }
0x91: {  	s18 =	sld [smem:$0x3FFB];
	_ =	sdelay $0x3  }
0x92: {  	_ =	strace s18  }
0x93: {  	s3 =	sld [smem:$0x3FFC];
	_ =	sdelay $0x3  }
0x94: {  	_ =	strace s3  }
0x95: {  	s3 =	sld [smem:$0x3FFD];
	_ =	sdelay $0x3  }
0x96: {  	_ =	strace s3  }
0x97: {  	_ =	strace $0x8FFFFFFF  }
0x98: {  	s19 =	sld [smem:$0x3FDB];
	_ =	sdelay $0x1  }
0x99: {  	s4 =	simm.s32 $_scs_section_size  }
0x9a: {  	s5 =	simm.s32 $_size__tile_overlayer_lowered;
	s6 =	simm.s32 $_tile_overlayer_lowered  }
0x9b: {  	s22 =	simm.s32 $0x1BFF;
	s21 =	sshll.u32 s6, $0x1;
	s3 =	sadd.s32 s4, s19  }
0x9c: {  	s7 =	simm.s32 $0x0;
	s20 =	sshll.u32 s5, $0x1;
	s5 =	sadd.s32 s21, s3  }
0x9d: {  	[timem:s7], [sflag:s22] =	dma.local [hbm:s5], s20  }
0x9e: {  	_ =	swait.ge [sflag:s22], s20  }
0x9f: {  	s4 =	ssub.s32 $0x0, s20;
	[sflag:s22] =	ssyncset.done $0x0  }
0xa0: {  	[sflag:s22] =	ssyncadd.s32 s4;
	_ =	sdelay $0x1  }
0xa1: {  	s23 =	simm.s32 $0x1B8B  }
0xa2: {  	_ =	swait.ge [sflag:s23], $0x1  }
0xa3: {  	[sflag:s23] =	ssyncset.done $0x0  }
0xa4: {  	s25 =	simm.s32 $0x1B8E;
	s24 =	sld [smem:$0x3FFE];
	[sflag:s23] =	ssyncadd.s32 $0xFFFFFFFF  }
0xa5: {  	s26 =	simm.s32 $execute0_lowered;
	[smem:$0x3FD2] =	sst s25  }
0xa6: {  	s5 =	sshll.u32 s26, $0x1;
	_ =	strace $0x80000046;
	[dreg:$0x1] =	wrdreg $0xFFFFFFFF  }
0xa7: {  	s28 =	simm.s32 $_size_execute0_lowered;
	s3 =	sadd.s32 s3, s5;
	[dreg:$0x0] =	wrdreg $0x0  }
0xa8: {  	s5 =	sshll.u32 s28, $0x1;
	[dreg:$0x2] =	wrdreg s3  }
0xa9: {  	[dreg:$0x3] =	wrdreg s5  }
0xaa: {  	[dreg:$0x4] =	wrdreg $0xC0  }
0xab: {  	_ =	task [dreg:s7], $0x5FFFF  }
0xac: {  	[dreg:$0x1] =	wrdreg $0xFFFFFFFF  }
0xad: {  	[dreg:$0x0] =	wrdreg $0x60  }
0xae: {  	[dreg:$0x2] =	wrdreg s2  }
0xaf: {  	[dreg:$0x3] =	wrdreg s24  }
0xb0: {  	[dreg:$0x4] =	wrdreg $0x9  }
0xb1: {  	_ =	task.clear_ibuf [dreg:s7], $0x5FFFF;
	_ =	strace $0x90000046  }
0xb2: {  	s29 =	simm.s32 $0x9;
	_ =	strace $0x80000048  }
0xb3: {  	_ =	swait.ge [sflag:s29], $0x1  }
0xb4: {  	[sflag:s29] =	ssyncadd.s32 $0xFFFFFFFF  }
0xb5: {  	_ =	strace $0x90000048  }
0xb6: {  	_ =	sfence  }
0xb7: {  	s30 =	sld [smem:$0x0];
	_ =	sdelay $0x2  }
0xb8: {  	s31 =	sshll.u32 s1, $0xD;
	s1 =	sshrl.u32 s1, $0x2  }
0xb9: {  	s3 =	sand.u32 $0x4000, s31;
	s1 =	sadd.s32 s1, s30  }
0xba: {  	s0 =	sor.u32 s3, s0;
	s1 =	sshll.u32 s1, $0x11  }
0xbb: {  	s0 =	sor.u32 s1, s0  }
0xbc: {  	s0 =	sadd.s32 $0x8F2B, s0  }
0xbd: {  	[sflag:s0] =	ssyncadd.remote.s32 $0x1  }
0xbe: {  	_ =	sfence.sel $0xFFFF  }
0xbf: {  	[dreg:$0x0] =	wrdreg $0xFFFFFFFF;
	(pc) =	sbr.abs _section_cstart, $3  }
0xc0: {  	[dreg:$0x1] =	wrdreg $0xFFFFFFFF  }
0xc1: {  	_ =	task.clear_ibuf [dreg:s7], $0x2FFFF;
	_ =	strace $0x9FFFFFFF  }
0xc2: {  	(tm) =	ssettm $0x7FFFFFFF  }
0xc3: {  	_ =	shalt  }
tec
execute0_lowered:
.L_overlay_start_1:
0x0: {  	(tag) =	ssettag $0x1  }
0x1: {  	s1 =	srdreg.scid;
	s2 =	rddreg [dreg:$0x0]  }
0x2: {  	s0 =	stileid.u32;
	s5 =	rddreg [dreg:$0x1]  }
0x3: {  	s3 =	simm.s32 $0x0;
	s13 =	simm.s32 $0x1;
	s14 =	simm.s32 $0x4400  }
0x4: {  	s15 =	simm.s32 $0xC400;
	s16 =	simm.s32 $0xD400;
	s17 =	simm.s32 $0xE400  }
0x5: {  	s18 =	simm.s32 $0xF400;
	s19 =	simm.s32 $0x10400;
	s20 =	simm.s32 $0x11400  }
0x6: {  	s22 =	simm.s32 $0x13400;
	s23 =	simm.s32 $0x0;
	s4 =	sand.u32 $0x1, s1  }
0x7: {  	s6 =	sshll.u32 s0, $0x6;
	s1 =	rddreg [dreg:$0x2];
	s7 =	sshll.u32 s4, $0x5  }
0x8: {  	[smem:$0x7FF] =	sst s3;
	s4 =	ssub.s32 $0x2, s4;
	s21 =	sor.u32 s7, s6  }
0x9: {  	_ =	strace $0x80000047;
	s31 =	sshrl.u32 s4, $0x1;
	s6 =	sshll.u32 s21, $0x4  }
0xa: {  	s12 =	ssub.s32 s4, s31;
	v0 =	vmov s21;
	s21 =	simm.s32 $0x12400;
	s11 =	sadd.s32 s6, s5  }
0xb: {  	s12 =	smax.u32 s12, $0x1;
	s4 =	sadd.s32 $0x600, s11;
	s5 =	sadd.s32 $0x4600, s11  }
0xc: {  	s6 =	sadd.s32 $0x8600, s11;
	s7 =	sadd.s32 $0xC600, s11;
	s8 =	sadd.s32 $0x10600, s11  }
0xd: {  	v1 =	vimm.f32 $0.0e+00;
	v2 =	vimm.f32 $1.000000000e+00;
	s9 =	sadd.s32 $0x14600, s11;
	s10 =	sadd.s32 $0x18600, s11;
	s11 =	sadd.s32 $0x1C600, s11  }
.LBB2_1:
0xe: {  	[tilespmem:s3], [sflag:$0x1] =	stream.linear.gather [hbm4b:s2+s3], $0x4400, $0x38;
	[tilespmem:$0x14400] =	vst v63  }
0xf: {  	_ =	swait.ge [sflag:s13], $0x4400  }
0x10: {  	[sflag:s13] =	ssyncset.done $0x0  }
0x11: {  	s24 =	simm.s32 $0x40;
	s25 =	simm.s32 $0x0;
	[sflag:s13] =	ssyncadd.s32 $0xFFFFBC00  }
.LBB2_2:
0x12: {  	p0 =	sne.s32 s24, $0x1FFC0;
	[tilespmem:s25+$0x4400] =	vst v1;
	s25 =	smov.u32 s24;
	s24 =	sadd.s32 $0x40, s24  }
.Ltmp0:
0x13: {  	(pc) =	sbr.rel @p0 .LBB2_2-.Ltmp0, $2  }
0x14: {  	_ =	sdelay $0x2  }
0x15: {  	s25 =	sshra.s32 s25, $0x2  }
0x16: {  	[tilespmem:s25+$0x4400] =	vst v1;
	s24 =	simm.s32 $0x0  }
.LBB2_4:
0x17: {  	s25 =	sshra.s32 s24, $0x2  }
0x18: {  	v3 =	vld [tilespmem:s25+$0x0];
	_ =	sdelay $0x4  }
0x19: {  	v4 =	vshrl.u32 v3, $0xA;
	v5 =	vshrl.u32 v3, $0x2  }
0x1a: {  	v4 =	vsub.s32 v4, v0;
	v5 =	vand.u32 $0xE0, v5  }
0x1b: {  	v5 =	vadd.s32 v4, v5  }
0x1c: {  	v3 =	vand.u32 $0x7F, v3;
	v5 =	vshll.u32 v5, $0x7  }
0x1d: {  	vm0 =	vlt.u32 v4, $0x20;
	v3 =	vor.u32 v3, v5  }
0x1e: {  	v3 =	vnsel vm0, $0x0, v3;
	_ =	sdelay $0x4  }
0x1f: {  	[tilespmem:v3+s14+$0x0] =	vst.idx.add.f32.msk vm0, v2  }
0x20: {  	v3 =	vld [tilespmem:s25+$0x10];
	_ =	sdelay $0x4  }
0x21: {  	v50 =	vshrl.u32 v3, $0xA;
	v51 =	vshrl.u32 v3, $0x2  }
0x22: {  	v4 =	vsub.s32 v50, v0;
	v5 =	vand.u32 $0xE0, v51  }
0x23: {  	v5 =	vadd.s32 v4, v5  }
0x24: {  	v3 =	vand.u32 $0x7F, v3;
	v5 =	vshll.u32 v5, $0x7  }
0x25: {  	vm9 =	vlt.u32 v4, $0x20;
	v3 =	vor.u32 v3, v5  }
0x26: {  	v3 =	vnsel vm9, $0x0, v3;
	_ =	sdelay $0x4  }
0x27: {  	[tilespmem:v3+s14+$0x0] =	vst.idx.add.f32.msk vm9, v2  }
0x28: {  	v3 =	vld [tilespmem:s25+$0x20];
	_ =	sdelay $0x4  }
0x29: {  	v52 =	vshrl.u32 v3, $0xA;
	v53 =	vshrl.u32 v3, $0x2  }
0x2a: {  	v4 =	vsub.s32 v52, v0;
	v5 =	vand.u32 $0xE0, v53  }
0x2b: {  	v5 =	vadd.s32 v4, v5  }
0x2c: {  	v3 =	vand.u32 $0x7F, v3;
	v5 =	vshll.u32 v5, $0x7  }
0x2d: {  	vm10 =	vlt.u32 v4, $0x20;
	v3 =	vor.u32 v3, v5  }
0x2e: {  	v3 =	vnsel vm10, $0x0, v3;
	_ =	sdelay $0x4  }
0x2f: {  	[tilespmem:v3+s14+$0x0] =	vst.idx.add.f32.msk vm10, v2  }
0x30: {  	v3 =	vld [tilespmem:s25+$0x30];
	_ =	sdelay $0x4  }
0x31: {  	v54 =	vshrl.u32 v3, $0xA;
	v55 =	vshrl.u32 v3, $0x2  }
0x32: {  	v4 =	vsub.s32 v54, v0;
	v5 =	vand.u32 $0xE0, v55  }
0x33: {  	v5 =	vadd.s32 v4, v5  }
0x34: {  	v3 =	vand.u32 $0x7F, v3;
	v5 =	vshll.u32 v5, $0x7  }
0x35: {  	vm11 =	vlt.u32 v4, $0x20;
	v3 =	vor.u32 v3, v5  }
0x36: {  	v3 =	vnsel vm11, $0x0, v3;
	_ =	sdelay $0x4  }
0x37: {  	[tilespmem:v3+s14+$0x0] =	vst.idx.add.f32.msk vm11, v2  }
0x38: {  	v3 =	vld [tilespmem:s25+$0x40];
	_ =	sdelay $0x4  }
0x39: {  	v56 =	vshrl.u32 v3, $0xA;
	v57 =	vshrl.u32 v3, $0x2  }
0x3a: {  	v4 =	vsub.s32 v56, v0;
	v5 =	vand.u32 $0xE0, v57  }
0x3b: {  	v5 =	vadd.s32 v4, v5  }
0x3c: {  	v3 =	vand.u32 $0x7F, v3;
	v5 =	vshll.u32 v5, $0x7  }
0x3d: {  	vm12 =	vlt.u32 v4, $0x20;
	v3 =	vor.u32 v3, v5  }
0x3e: {  	v3 =	vnsel vm12, $0x0, v3;
	_ =	sdelay $0x4  }
0x3f: {  	[tilespmem:v3+s14+$0x0] =	vst.idx.add.f32.msk vm12, v2  }
0x40: {  	v3 =	vld [tilespmem:s25+$0x50];
	_ =	sdelay $0x4  }
0x41: {  	v58 =	vshrl.u32 v3, $0xA;
	v59 =	vshrl.u32 v3, $0x2  }
0x42: {  	v4 =	vsub.s32 v58, v0;
	v5 =	vand.u32 $0xE0, v59  }
0x43: {  	v5 =	vadd.s32 v4, v5  }
0x44: {  	v3 =	vand.u32 $0x7F, v3;
	v5 =	vshll.u32 v5, $0x7  }
0x45: {  	vm13 =	vlt.u32 v4, $0x20;
	v3 =	vor.u32 v3, v5  }
0x46: {  	v3 =	vnsel vm13, $0x0, v3;
	_ =	sdelay $0x4  }
0x47: {  	[tilespmem:v3+s14+$0x0] =	vst.idx.add.f32.msk vm13, v2  }
0x48: {  	v3 =	vld [tilespmem:s25+$0x60];
	_ =	sdelay $0x4  }
0x49: {  	v60 =	vshrl.u32 v3, $0xA;
	v61 =	vshrl.u32 v3, $0x2  }
0x4a: {  	v4 =	vsub.s32 v60, v0;
	v5 =	vand.u32 $0xE0, v61  }
0x4b: {  	v5 =	vadd.s32 v4, v5  }
0x4c: {  	v3 =	vand.u32 $0x7F, v3;
	v5 =	vshll.u32 v5, $0x7  }
0x4d: {  	vm14 =	vlt.u32 v4, $0x20;
	v3 =	vor.u32 v3, v5  }
0x4e: {  	v3 =	vnsel vm14, $0x0, v3;
	_ =	sdelay $0x4  }
0x4f: {  	[tilespmem:v3+s14+$0x0] =	vst.idx.add.f32.msk vm14, v2  }
0x50: {  	v3 =	vld [tilespmem:s25+$0x70];
	_ =	sdelay $0x4  }
0x51: {  	v62 =	vshrl.u32 v3, $0xA;
	v63 =	vshrl.u32 v3, $0x2  }
0x52: {  	v4 =	vsub.s32 v62, v0;
	v5 =	vand.u32 $0xE0, v63  }
0x53: {  	v5 =	vadd.s32 v4, v5  }
0x54: {  	v3 =	vand.u32 $0x7F, v3;
	v5 =	vshll.u32 v5, $0x7  }
0x55: {  	vm15 =	vlt.u32 v4, $0x20;
	v3 =	vor.u32 v3, v5  }
0x56: {  	p0 =	sne.s32 s24, $0x10E00;
	v3 =	vnsel vm15, $0x0, v3  }
.Ltmp1:
0x57: {  	_ = 	snop;
	(pc) =	sbr.rel @p0 .LBB2_4-.Ltmp1, $2  }
0x58: {  	_ =	sdelay $0x2  }
0x59: {  	s24 =	sadd.s32 $0x200, s24;
	[tilespmem:v3+s14+$0x0] =	vst.idx.add.f32.msk vm15, v2  }
0x5a: {  	s24 =	simm.s32 $0x0  }
0x5b: {  	v6 =	vld [tilespmem:s24+$0x4470]  }
0x5c: {  	v7 =	vld [tilespmem:s24+$0x4400]  }
0x5d: {  	v8 =	vld [tilespmem:s24+$0x4410]  }
0x5e: {  	v5 =	vld [tilespmem:s24+$0x4420]  }
0x5f: {  	v3 =	vld [tilespmem:s24+$0x4430]  }
0x60: {  	v4 =	vld [tilespmem:s24+$0x4440];
	[tilespmem:s24+$0xC470] =	vst v6  }
0x61: {  	[tilespmem:s24+$0xC400] =	vst v7;
	v6 =	vld [tilespmem:s24+$0x4450]  }
0x62: {  	s25 =	simm.s32 $0x80;
	s26 =	simm.s32 $0x400;
	[tilespmem:s24+$0xC410] =	vst v8;
	v7 =	vld [tilespmem:s24+$0x4460]  }
.LBB2_6:
0x63: {  	p0 =	sne.s32 s26, $0x1FE00;
	v8 =	vld [tilespmem:s25+$0x4470];
	[tilespmem:s24+$0xC420] =	vst v5  }
0x64: {  	v9 =	vld [tilespmem:s25+$0x4400];
	[tilespmem:s24+$0xC430] =	vst v3  }
0x65: {  	v10 =	vld [tilespmem:s25+$0x4410];
	[tilespmem:s24+$0xC440] =	vst v4  }
.Ltmp2:
0x66: {  	v5 =	vld [tilespmem:s25+$0x4420];
	[tilespmem:s24+$0xC450] =	vst v6;
	(pc) =	sbr.rel @p0 .LBB2_6-.Ltmp2, $4  }
0x67: {  	v3 =	vld [tilespmem:s25+$0x4430];
	[tilespmem:s24+$0xC460] =	vst v7;
	s24 =	smov.u32 s25  }
0x68: {  	v4 =	vld [tilespmem:s24+$0x4440];
	[tilespmem:s24+$0xC470] =	vst v8  }
0x69: {  	[tilespmem:s24+$0xC400] =	vst v9;
	v6 =	vld [tilespmem:s24+$0x4450]  }
0x6a: {  	s25 =	sshra.s32 s26, $0x2;
	s26 =	sadd.s32 $0x200, s26;
	[tilespmem:s24+$0xC410] =	vst v10;
	v7 =	vld [tilespmem:s24+$0x4460]  }
0x6b: {  	v8 =	vld [tilespmem:s25+$0x4470];
	[tilespmem:s24+$0xC420] =	vst v5  }
0x6c: {  	v5 =	vld [tilespmem:s25+$0x4400];
	[tilespmem:s24+$0xC430] =	vst v3  }
0x6d: {  	v3 =	vld [tilespmem:s25+$0x4410];
	[tilespmem:s24+$0xC440] =	vst v4  }
0x6e: {  	v4 =	vld [tilespmem:s25+$0x4420];
	[tilespmem:s24+$0xC450] =	vst v6  }
0x6f: {  	v6 =	vld [tilespmem:s25+$0x4430];
	[tilespmem:s24+$0xC460] =	vst v7  }
0x70: {  	v7 =	vld [tilespmem:s25+$0x4440];
	[tilespmem:s25+$0xC470] =	vst v8  }
0x71: {  	v63 =	vld [tilespmem:s25+$0x4450];
	[tilespmem:s25+$0xC400] =	vst v5  }
0x72: {  	[tilespmem:s25+$0xC410] =	vst v3;
	v3 =	vld [tilespmem:s25+$0x4460]  }
0x73: {  	[tilespmem:s25+$0xC420] =	vst v4  }
0x74: {  	[tilespmem:s25+$0xC430] =	vst v6  }
0x75: {  	[tilespmem:s25+$0xC440] =	vst v7  }
0x76: {  	[tilespmem:s25+$0xC450] =	vst v63  }
0x77: {  	[tilespmem:s25+$0xC460] =	vst v3  }
0x78: {  	[hbm4b:s4+s3] =	stream.linear.scatter [tilespmem:s15], [sflag:$0x1], $0x1000, $0x38;
	[tilespmem:$0x14400] =	vst v63  }
0x79: {  	_ =	swait.ge [sflag:s13], $0x1000  }
0x7a: {  	[sflag:s13] =	ssyncset.done $0x0  }
0x7b: {  	[sflag:s13] =	ssyncadd.s32 $0xFFFFF000  }
0x7c: {  	[hbm4b:s5+s3] =	stream.linear.scatter [tilespmem:s16], [sflag:$0x1], $0x1000, $0x38;
	[tilespmem:$0x14400] =	vst v63  }
0x7d: {  	_ =	swait.ge [sflag:s13], $0x1000  }
0x7e: {  	[sflag:s13] =	ssyncset.done $0x0  }
0x7f: {  	[sflag:s13] =	ssyncadd.s32 $0xFFFFF000  }
0x80: {  	[hbm4b:s6+s3] =	stream.linear.scatter [tilespmem:s17], [sflag:$0x1], $0x1000, $0x38;
	[tilespmem:$0x14400] =	vst v63  }
0x81: {  	_ =	swait.ge [sflag:s13], $0x1000  }
0x82: {  	[sflag:s13] =	ssyncset.done $0x0  }
0x83: {  	[sflag:s13] =	ssyncadd.s32 $0xFFFFF000  }
0x84: {  	[hbm4b:s7+s3] =	stream.linear.scatter [tilespmem:s18], [sflag:$0x1], $0x1000, $0x38;
	[tilespmem:$0x14400] =	vst v63  }
0x85: {  	_ =	swait.ge [sflag:s13], $0x1000  }
0x86: {  	[sflag:s13] =	ssyncset.done $0x0  }
0x87: {  	[sflag:s13] =	ssyncadd.s32 $0xFFFFF000  }
0x88: {  	[hbm4b:s8+s3] =	stream.linear.scatter [tilespmem:s19], [sflag:$0x1], $0x1000, $0x38;
	[tilespmem:$0x14400] =	vst v63  }
0x89: {  	_ =	swait.ge [sflag:s13], $0x1000  }
0x8a: {  	[sflag:s13] =	ssyncset.done $0x0  }
0x8b: {  	[sflag:s13] =	ssyncadd.s32 $0xFFFFF000  }
0x8c: {  	[hbm4b:s9+s3] =	stream.linear.scatter [tilespmem:s20], [sflag:$0x1], $0x1000, $0x38;
	[tilespmem:$0x14400] =	vst v63  }
0x8d: {  	_ =	swait.ge [sflag:s13], $0x1000  }
0x8e: {  	[sflag:s13] =	ssyncset.done $0x0  }
0x8f: {  	[sflag:s13] =	ssyncadd.s32 $0xFFFFF000  }
0x90: {  	[hbm4b:s10+s3] =	stream.linear.scatter [tilespmem:s21], [sflag:$0x1], $0x1000, $0x38;
	[tilespmem:$0x14400] =	vst v63  }
0x91: {  	s23 =	sadd.s32 $0x1, s23;
	_ =	swait.ge [sflag:s13], $0x1000  }
0x92: {  	p0 =	sne.s32 s23, s12;
	[sflag:s13] =	ssyncset.done $0x0  }
.Ltmp3:
0x93: {  	[sflag:s13] =	ssyncadd.s32 $0xFFFFF000;
	(pc) =	sbr.rel @p0 .LBB2_1-.Ltmp3, $4  }
0x94: {  	[hbm4b:s11+s3] =	stream.linear.scatter [tilespmem:s22], [sflag:$0x1], $0x1000, $0x38;
	[tilespmem:$0x14400] =	vst v63  }
0x95: {  	_ =	swait.ge [sflag:s13], $0x1000  }
0x96: {  	[sflag:s13] =	ssyncset.done $0x0  }
0x97: {  	[sflag:s13] =	ssyncadd.s32 $0xFFFFF000  }
0x98: {  	_ =	sfence.sel $0x180000  }
0x99: {  	[bflag:$0x0] =	sbarrier.arrive $0xFFFF  }
0x9a: {  	p0 =	sne.s32 s0, $0x0;
	_ =	strace $0x90000047  }
0x9b: {  	s0 =	sadd.s32 @!p0 $0x100000, s1;
	[bflag:$0x2] =	sbarrier.arrive $0xFFFF  }
0x9c: {  	[sflag:s0] =	ssyncadd.tile.s32 @!p0 $0x1;
	_ =	shalt  }
.Lfunc_end2:
_tile_overlayer_lowered:
.L_overlay_start_2:
0x9d: {  	(tag) =	ssettag $0x2  }
0x9e: {  	s0 =	rddreg [dreg:$0x0];
	s2 =	stileid.u32  }
0x9f: {  	s1 =	rddreg [dreg:$0x1];
	p0 =	sne.s32 s2, $0x0  }
0xa0: {  	s3 =	rddreg [dreg:$0x2];
	[bflag:$0x3] =	sbarrier.arrive $0xFFFF;
	s2 =	simm.s32 @!p0 $0x1C01  }
0xa1: {  	[timem:s3], [sflag:s2] =	dma.local @!p0 [hbm:s0], s1  }
0xa2: {  	s0 =	simm.s32 @!p0 $0x1  }
0xa3: {  	_ =	swait.ge @!p0 [sflag:s0], s1  }
0xa4: {  	s1 =	ssub.s32 @!p0 $0x0, s1;
	[sflag:s0] =	ssyncset.done @!p0 $0x0  }
0xa5: {  	[sflag:s0] =	ssyncadd.s32 @!p0 s1  }
0xa6: {  	[bflag:$0x3] =	sbarrier.arrive $0xFFFF  }
0xa7: {  	_ =	shalt  }

</sc_bundles>
